<compile_context>
chip_gen: v7x
topology: tpu7x:2x2x1
jax: 0.10.2.dev20260603
libtpu: 0.0.44.dev20260713+nightly
codegen_flags: <defaults>
</compile_context>

<pallas_src>
import functools

import jax
import jax.numpy as jnp
from jax import lax
from jax.experimental import pallas as pl
from jax.experimental.pallas import tpu as pltpu
from jax.experimental.pallas import tpu_sc as plsc

NCORE = 2
NSUB = 16
KI = 80


def _sc_mesh():
    return plsc.VectorSubcoreMesh(core_axis_name="c", subcore_axis_name="s")


def _make_deg_kernel(Np, E):
    per_w = E // (NCORE * NSUB)
    nchunk = per_w // KI
    rpt = Np // NSUB

    @functools.partial(
        pl.kernel,
        out_type=jax.ShapeDtypeStruct((NCORE * Np, 128), jnp.float32),
        mesh=_sc_mesh(),
        scratch_types=[
            pltpu.VMEM_SHARED((Np, 128), jnp.float32),
            pltpu.VMEM((KI,), jnp.int32),
            pltpu.VMEM((KI, 128), jnp.float32),
        ],
    )
    def deg_kernel(dst_ref, zeros_ref, ones_ref, out_ref, acc, idx_v, ones_v):
        c = lax.axis_index("c")
        s = lax.axis_index("s")
        pltpu.sync_copy(zeros_ref.at[pl.ds(s * rpt, rpt)], acc.at[pl.ds(s * rpt, rpt)])
        pltpu.sync_copy(ones_ref, ones_v)
        plsc.subcore_barrier()
        wid = c * NSUB + s
        base0 = wid * per_w

        def body(g, carry):
            pltpu.sync_copy(dst_ref.at[pl.ds(base0 + g * KI, KI)], idx_v)
            pltpu.sync_copy(ones_v, acc.at[idx_v], add=True)
            return carry

        lax.fori_loop(0, nchunk, body, 0)
        plsc.subcore_barrier()
        pltpu.sync_copy(acc.at[pl.ds(s * rpt, rpt)],
                        out_ref.at[pl.ds(c * Np + s * rpt, rpt)])

    return deg_kernel


def _make_agg_kernel(Np, E, F):
    per_t = E // NSUB
    nchunk = per_t // KI
    rpt = Np // NSUB

    @functools.partial(
        pl.kernel,
        out_type=jax.ShapeDtypeStruct((NCORE * Np, F), jnp.float32),
        mesh=_sc_mesh(),
        scratch_types=[
            pltpu.VMEM_SHARED((Np, F), jnp.float32),
            pltpu.VMEM((KI,), jnp.int32),
            pltpu.VMEM((KI,), jnp.int32),
            pltpu.VMEM((KI,), jnp.int32),
            pltpu.VMEM((KI,), jnp.int32),
            pltpu.VMEM((KI, F), jnp.float32),
            pltpu.VMEM((KI, F), jnp.float32),
            pltpu.SemaphoreType.DMA,
            pltpu.SemaphoreType.DMA,
        ],
    )
    def agg_kernel(ht_ref, srcall_ref, dst_ref, out_ref, acc, src0, src1,
                   dst0, dst1, rows0, rows1, sem0, sem1):
        c = lax.axis_index("c")
        s = lax.axis_index("s")
        row0 = c * Np
        pltpu.sync_copy(ht_ref.at[pl.ds(row0 + s * rpt, rpt)],
                        acc.at[pl.ds(s * rpt, rpt)])
        plsc.subcore_barrier()
        sbase = c * E + s * per_t
        dbase = s * per_t

        def stage_fire(g, sv, dv, rv, sem):
            pltpu.sync_copy(srcall_ref.at[pl.ds(sbase + g * KI, KI)], sv)
            pltpu.sync_copy(dst_ref.at[pl.ds(dbase + g * KI, KI)], dv)
            pltpu.make_async_copy(ht_ref.at[sv], rv, sem).start()

        stage_fire(0, src0, dst0, rows0, sem0)

        def body(gp, carry):
            g0 = 2 * gp
            stage_fire(g0 + 1, src1, dst1, rows1, sem1)
            pltpu.make_async_copy(ht_ref.at[src0], rows0, sem0).wait()
            pltpu.sync_copy(rows0, acc.at[dst0], add=True)

            @pl.when(g0 + 2 < nchunk)
            def _():
                stage_fire(g0 + 2, src0, dst0, rows0, sem0)

            pltpu.make_async_copy(ht_ref.at[src1], rows1, sem1).wait()
            pltpu.sync_copy(rows1, acc.at[dst1], add=True)
            return carry

        lax.fori_loop(0, nchunk // 2, body, 0)
        plsc.subcore_barrier()
        pltpu.sync_copy(acc.at[pl.ds(s * rpt, rpt)],
                        out_ref.at[pl.ds(row0 + s * rpt, rpt)])

    return agg_kernel


def _make_pair_kernel(Np, P, D):
    per_w = P // (NCORE * NSUB)
    gk = 128
    ng = per_w // gk

    @functools.partial(
        pl.kernel,
        out_type=jax.ShapeDtypeStruct((P, D), jnp.float32),
        mesh=_sc_mesh(),
        scratch_types=[
            pltpu.VMEM((gk,), jnp.int32),
            pltpu.VMEM((gk, D), jnp.float32),
            pltpu.SemaphoreType.DMA,
        ],
    )
    def pair_kernel(h_ref, idx_ref, out_ref, idx_v, rows_v, sem):
        c = lax.axis_index("c")
        s = lax.axis_index("s")
        wid = c * NSUB + s

        def body(g, carry):
            base = wid * per_w + g * gk
            pltpu.sync_copy(idx_ref.at[pl.ds(base, gk)], idx_v)
            pltpu.async_copy(h_ref.at[idx_v], rows_v, sem).wait()
            pltpu.sync_copy(rows_v, out_ref.at[pl.ds(base, gk)])
            return carry

        lax.fori_loop(0, ng, body, 0)

    return pair_kernel


def _h1_body(deg_ref, x_ref, w_ref, o_ref):
    dis = lax.rsqrt(deg_ref[0, :, 0:1] + deg_ref[1, :, 0:1] + 1.0)
    h = jnp.dot(x_ref[...], w_ref[...], preferred_element_type=jnp.float32,
                precision=lax.Precision.HIGHEST)
    ht = h * dis
    F = ht.shape[1] // 2
    o_ref[0] = ht[:, :F]
    o_ref[1] = ht[:, F:]


def _mid_body(deg_ref, s_ref, b_ref, w_ref, o_ref):
    dis = lax.rsqrt(deg_ref[0, :, 0:1] + deg_ref[1, :, 0:1] + 1.0)
    ssum = jnp.concatenate([s_ref[0], s_ref[1]], axis=1)
    x2 = jnp.maximum(dis * ssum + b_ref[...], 0.0)
    h2 = jnp.dot(x2, w_ref[...], preferred_element_type=jnp.float32,
                 precision=lax.Precision.HIGHEST)
    ht2 = h2 * dis
    F = ht2.shape[1] // 2
    o_ref[0] = ht2[:, :F]
    o_ref[1] = ht2[:, F:]


def _fin_body(deg_ref, s_ref, b_ref, o_ref):
    dis = lax.rsqrt(deg_ref[0, :, 0:1] + deg_ref[1, :, 0:1] + 1.0)
    ssum = jnp.concatenate([s_ref[0], s_ref[1]], axis=1)
    o_ref[...] = dis * ssum + b_ref[...]


def _mlp_body(g_ref, s_ref, e_ref, p_ref, wg, ws, we, wp, b1r, w2, b2r, w3,
              b3r, o_ref):
    dot = functools.partial(jnp.dot, preferred_element_type=jnp.float32,
                            precision=lax.Precision.HIGHEST)
    z = (dot(g_ref[...], wg[...]) + dot(s_ref[...], ws[...]) +
         dot(e_ref[...], we[...]) + dot(p_ref[...], wp[...]) + b1r[...])
    z = jnp.maximum(z, 0.0)
    z2 = jnp.maximum(dot(z, w2[...]) + b2r[...], 0.0)
    o_ref[...] = dot(z2, w3[...]) + b3r[...]


def kernel(x, edge_index, scg_pair, gpt_pair, esm_pair, pair_idx, W1, b1, W2,
           b2, Wc1, bc1, Wc2, bc2, Wc3, bc3):
    N, Fin = x.shape
    E = edge_index.shape[1]
    B = pair_idx.shape[0]
    H = W1.shape[1]
    D = W2.shape[1]
    F = D // 2
    Np = ((N + 1023) // 1024) * 1024
    ei = edge_index.astype(jnp.int32)
    src_e = ei[0]
    dst_e = ei[1]
    srcall = jnp.concatenate([src_e, src_e + Np])
    pidx = pair_idx.astype(jnp.int32).reshape(B * 2)
    xp = jnp.pad(x, ((0, Np - N), (0, 0)))

    deg_kernel = _make_deg_kernel(Np, E)
    zeros_n = jnp.zeros((Np, 128), jnp.float32)
    ones_k = jnp.ones((KI, 128), jnp.float32)
    deg_parts = deg_kernel(dst_e, zeros_n, ones_k).reshape(NCORE, Np, 128)

    RB = 1024
    grid = (Np // RB,)
    deg_spec = pl.BlockSpec((NCORE, RB, 128), lambda i: (0, i, 0))
    half_spec = pl.BlockSpec((NCORE, RB, F), lambda i: (0, i, 0))
    ht1 = pl.pallas_call(
        _h1_body,
        grid=grid,
        in_specs=[
            deg_spec,
            pl.BlockSpec((RB, Fin), lambda i: (i, 0)),
            pl.BlockSpec((Fin, H), lambda i: (0, 0)),
        ],
        out_specs=half_spec,
        out_shape=jax.ShapeDtypeStruct((NCORE, Np, F), jnp.float32),
    )(deg_parts, xp, W1)

    agg_kernel = _make_agg_kernel(Np, E, F)
    sum1 = agg_kernel(ht1.reshape(NCORE * Np, F), srcall,
                      dst_e).reshape(NCORE, Np, F)

    ht2 = pl.pallas_call(
        _mid_body,
        grid=grid,
        in_specs=[
            deg_spec,
            half_spec,
            pl.BlockSpec((1, H), lambda i: (0, 0)),
            pl.BlockSpec((H, D), lambda i: (0, 0)),
        ],
        out_specs=half_spec,
        out_shape=jax.ShapeDtypeStruct((NCORE, Np, F), jnp.float32),
    )(deg_parts, sum1, b1.reshape(1, H), W2)

    sum2 = agg_kernel(ht2.reshape(NCORE * Np, F), srcall,
                      dst_e).reshape(NCORE, Np, F)

    hfin = pl.pallas_call(
        _fin_body,
        grid=grid,
        in_specs=[
            deg_spec,
            half_spec,
            pl.BlockSpec((1, D), lambda i: (0, 0)),
        ],
        out_specs=pl.BlockSpec((RB, D), lambda i: (i, 0)),
        out_shape=jax.ShapeDtypeStruct((Np, D), jnp.float32),
    )(deg_parts, sum2, b2.reshape(1, D))

    pair_kernel = _make_pair_kernel(Np, 2 * B, D)
    gcn_pair = pair_kernel(hfin, pidx).reshape(B, 2 * D)

    ns, ne, np_ = scg_pair.shape[1], esm_pair.shape[1], gpt_pair.shape[1]
    wg = Wc1[:2 * D]
    ws = Wc1[2 * D:2 * D + ns]
    we = Wc1[2 * D + ns:2 * D + ns + ne]
    wp = Wc1[2 * D + ns + ne:]
    w2p = jnp.zeros((128, 128), jnp.float32).at[:, :Wc2.shape[1]].set(Wc2)
    b2p = jnp.zeros((1, 128), jnp.float32).at[:, :Wc2.shape[1]].set(bc2[None, :])
    w3p = jnp.zeros((128, 128), jnp.float32).at[:Wc3.shape[0], :Wc3.shape[1]].set(Wc3)
    b3p = jnp.zeros((1, 128), jnp.float32).at[:, :Wc3.shape[1]].set(bc3[None, :])
    PB = 512
    full = lambda r, c: pl.BlockSpec((r, c), lambda i: (0, 0))
    out_pad = pl.pallas_call(
        _mlp_body,
        grid=(B // PB,),
        in_specs=[
            pl.BlockSpec((PB, 2 * D), lambda i: (i, 0)),
            pl.BlockSpec((PB, ns), lambda i: (i, 0)),
            pl.BlockSpec((PB, ne), lambda i: (i, 0)),
            pl.BlockSpec((PB, np_), lambda i: (i, 0)),
            full(2 * D, 128), full(ns, 128), full(ne, 128), full(np_, 128),
            full(1, 128), full(128, 128), full(1, 128), full(128, 128),
            full(1, 128),
        ],
        out_specs=pl.BlockSpec((PB, 128), lambda i: (i, 0)),
        out_shape=jax.ShapeDtypeStruct((B, 128), jnp.float32),
    )(gcn_pair, scg_pair, esm_pair, gpt_pair, wg, ws, we, wp,
      bc1.reshape(1, 128), w2p, b2p, w3p, b3p)
    return out_pad[:, :Wc3.shape[1]]

# --- scband reference (transcript-rebuilt; emitter-appended) ---
"""Pipeline reference for scband-two-gcn-slclassifier-50208167690317 (READ-ONLY COPY).

The authoritative reference and input builder live on the scoring server;
editing this copy changes nothing except your own understanding.
"""

import jax, jax.numpy as jnp
import numpy as np


def gcn_conv(x, edge_index, W, b):
    # torch_geometric GCNConv: add self-loops, symmetric normalization, linear transform
    N = x.shape[0]
    loop = jnp.arange(N, dtype=edge_index.dtype)
    src = jnp.concatenate([edge_index[0], loop])
    dst = jnp.concatenate([edge_index[1], loop])
    h = x @ W
    deg = jnp.zeros((N,), dtype=h.dtype).at[dst].add(1.0)
    dis = jnp.where(deg > 0, deg ** -0.5, 0.0)
    norm = dis[src] * dis[dst]
    msg = h[src] * norm[:, None]
    out = jnp.zeros((N, h.shape[1]), dtype=h.dtype).at[dst].add(msg)
    return out + b


def setup_inputs(seed: int = 0):
    key = jax.random.key(seed)
    ks = [jax.random.fold_in(key, i) for i in range(16)]
    N, E, B = 10000, 320000, 4096
    node_feat_dim, hidden_dim, out_dim = 128, 256, 256
    scg_dim, genePT_dim, esm_dim = 128, 1536, 1280
    input_dim = 2 * out_dim + 2 * scg_dim + 2 * genePT_dim + 2 * esm_dim
    inp = {}
    inp['x'] = jax.random.normal(ks[0], (N, node_feat_dim), dtype=jnp.float32)
    inp['edge_index'] = jax.random.randint(ks[1], (2, E), 0, N, dtype=jnp.int64)
    inp['scg_pair'] = jax.random.normal(ks[2], (B, 2 * scg_dim), dtype=jnp.float32)
    inp['gpt_pair'] = jax.random.normal(ks[3], (B, 2 * genePT_dim), dtype=jnp.float32)
    inp['esm_pair'] = jax.random.normal(ks[4], (B, 2 * esm_dim), dtype=jnp.float32)
    inp['pair_idx'] = jax.random.randint(ks[5], (B, 2), 0, N, dtype=jnp.int64)
    inp['W1'] = jax.random.normal(ks[6], (node_feat_dim, hidden_dim), dtype=jnp.float32) * 0.05
    inp['b1'] = jnp.zeros((hidden_dim,), dtype=jnp.float32)
    inp['W2'] = jax.random.normal(ks[7], (hidden_dim, out_dim), dtype=jnp.float32) * 0.05
    inp['b2'] = jnp.zeros((out_dim,), dtype=jnp.float32)
    inp['Wc1'] = jax.random.normal(ks[8], (input_dim, 128), dtype=jnp.float32) * 0.02
    inp['bc1'] = jnp.zeros((128,), dtype=jnp.float32)
    inp['Wc2'] = jax.random.normal(ks[9], (128, 64), dtype=jnp.float32) * 0.05
    inp['bc2'] = jnp.zeros((64,), dtype=jnp.float32)
    inp['Wc3'] = jax.random.normal(ks[10], (64, 2), dtype=jnp.float32) * 0.05
    inp['bc3'] = jnp.zeros((2,), dtype=jnp.float32)
    return inp


def reference(x, edge_index, scg_pair, gpt_pair, esm_pair, pair_idx, W1, b1, W2, b2, Wc1, bc1, Wc2, bc2, Wc3, bc3):
    h = jax.nn.relu(gcn_conv(x, edge_index, W1, b1))
    h = gcn_conv(h, edge_index, W2, b2)
    # dropout is identity in eval mode
    node_emb_1 = h[pair_idx[:, 0]]
    node_emb_2 = h[pair_idx[:, 1]]
    gcn_pair = jnp.concatenate([node_emb_1, node_emb_2], axis=-1)
    # original concat order: gcn, scg, esm, gpt
    full_input = jnp.concatenate([gcn_pair, scg_pair, esm_pair, gpt_pair], axis=-1)
    z = jax.nn.relu(full_input @ Wc1 + bc1)
    z = jax.nn.relu(z @ Wc2 + bc2)
    logits = z @ Wc3 + bc3
    return logits

if __name__ == "__main__":
    import jax
    _d = setup_inputs()
    print(jax.jit(kernel)(*tuple(_d.values())))

</pallas_src>

<mosaic_0001>
#map = affine_map<(d0, d1) -> (0, 0)>
#map1 = affine_map<(d0, d1) -> (0)>
module attributes {stable_mosaic.version = 14 : i64} {
  func.func @pair_kernel(%arg0: i32, %arg1: i32, %arg2: memref<10240x256xf32, #tpu.memory_space<hbm>>, %arg3: memref<8192xi32, #tpu.memory_space<hbm>>, %arg4: memref<8192x256xf32, #tpu.memory_space<hbm>>, %arg5: memref<128xi32, #tpu.memory_space<vmem>>, %arg6: memref<128x256xf32, #tpu.memory_space<vmem>>, %arg7: memref<!tpu.dma_semaphore, #tpu.memory_space<semaphore_mem>>) attributes {dimension_semantics = [#tpu.dimension_semantics<core_parallel>, #tpu.dimension_semantics<subcore_parallel>], iteration_bounds = array<i64: 2, 16>, scalar_prefetch = 0 : i64, scratch_operands = 3 : i64, tpu.core_type = #tpu.core_type<sc_vector_subcore>, window_params = [{transform_indices = #map}, {transform_indices = #map1}, {transform_indices = #map}]} {
    %mul3A = arith.constant 16 : i32
    %mul3A_0 = arith.muli %arg0, %mul3A : i32
    %add3A = arith.addi %mul3A_0, %arg1 : i32
    %scan3A = arith.constant 0 : i32
    %scan3A_1 = arith.constant 0 : i32
    %scan3A_2 = arith.constant 2 : i32
    %scan3A_3 = arith.addi %scan3A_1, %scan3A_2 : i32
    %scan3A_4 = arith.constant 1 : i32
    scf.for %scan3A_6 = %scan3A_1 to %scan3A_3 step %scan3A_4  : i32 {
      %mul3A_7 = arith.constant 256 : i32
      %mul3A_8 = arith.muli %add3A, %mul3A_7 : i32
      %mul3A_9 = arith.constant 128 : i32
      %mul3A_10 = arith.muli %scan3A_6, %mul3A_9 : i32
      %add3A_11 = arith.addi %mul3A_8, %mul3A_10 : i32
      "tpu.region"() ({
        %run_scoped3A = tpu.sem_alloc : memref<!tpu.dma_semaphore, #tpu.memory_space<semaphore_mem>>
        %dma_start3A_16 = tpu.memref_slice %arg3[%add3A_11] : memref<8192xi32, #tpu.memory_space<hbm>> -> memref<128xi32, #tpu.memory_space<hbm>>
        %dma_start3A_17 = tpu.memref_slice %arg3[%add3A_11] : memref<8192xi32, #tpu.memory_space<hbm>> -> memref<128xi32, #tpu.memory_space<hbm>>
        tpu.enqueue_dma source(%dma_start3A_17 : memref<128xi32, #tpu.memory_space<hbm>>) target(%arg5 : memref<128xi32, #tpu.memory_space<vmem>>) target_semaphore(%run_scoped3A : memref<!tpu.dma_semaphore, #tpu.memory_space<semaphore_mem>>)
        %dma_wait3A_18 = tpu.memref_slice %arg3[%add3A_11] : memref<8192xi32, #tpu.memory_space<hbm>> -> memref<128xi32, #tpu.memory_space<hbm>>
        %dma_wait3A_19 = tpu.memref_slice %arg3[%add3A_11] : memref<8192xi32, #tpu.memory_space<hbm>> -> memref<128xi32, #tpu.memory_space<hbm>>
        tpu.wait_dma2 semaphore(%run_scoped3A : memref<!tpu.dma_semaphore, #tpu.memory_space<semaphore_mem>>) src(%dma_wait3A_19 : memref<128xi32, #tpu.memory_space<hbm>>) dst(%arg5 : memref<128xi32, #tpu.memory_space<vmem>>)
        tpu.yield
      }) : () -> ()
      %dma_start3A = arith.constant 0 : i32
      %dma_start3A_12 = arith.constant 0 : i32
      %dma_start3A_13 = tpu.memref_slice %arg2[%dma_start3A, %dma_start3A_12] : memref<10240x256xf32, #tpu.memory_space<hbm>> -> memref<10240x256xf32, #tpu.memory_space<hbm>>
      tpu.enqueue_indirect_dma source(%dma_start3A_13 : memref<10240x256xf32, #tpu.memory_space<hbm>>) target(%arg6 : memref<128x256xf32, #tpu.memory_space<vmem>>) offsets(%arg5 : memref<128xi32, #tpu.memory_space<vmem>>) semaphore(%arg7 : memref<!tpu.dma_semaphore, #tpu.memory_space<semaphore_mem>>)
      %dma_wait3A = arith.constant 0 : i32
      %dma_wait3A_14 = arith.constant 0 : i32
      %dma_wait3A_15 = tpu.memref_slice %arg2[%dma_wait3A, %dma_wait3A_14] : memref<10240x256xf32, #tpu.memory_space<hbm>> -> memref<10240x256xf32, #tpu.memory_space<hbm>>
      tpu.wait_indirect_dma semaphore(%arg7 : memref<!tpu.dma_semaphore, #tpu.memory_space<semaphore_mem>>) src(%dma_wait3A_15 : memref<10240x256xf32, #tpu.memory_space<hbm>>) dst(%arg6 : memref<128x256xf32, #tpu.memory_space<vmem>>)
      "tpu.region"() ({
        %run_scoped3A = tpu.sem_alloc : memref<!tpu.dma_semaphore, #tpu.memory_space<semaphore_mem>>
        %dma_start3A_16 = arith.constant 0 : i32
        %dma_start3A_17 = tpu.memref_slice %arg4[%add3A_11, %dma_start3A_16] : memref<8192x256xf32, #tpu.memory_space<hbm>> -> memref<128x256xf32, #tpu.memory_space<hbm>>
        %dma_start3A_18 = arith.constant 0 : i32
        %dma_start3A_19 = tpu.memref_slice %arg4[%add3A_11, %dma_start3A_18] : memref<8192x256xf32, #tpu.memory_space<hbm>> -> memref<128x256xf32, #tpu.memory_space<hbm>>
        tpu.enqueue_dma source(%arg6 : memref<128x256xf32, #tpu.memory_space<vmem>>) target(%dma_start3A_19 : memref<128x256xf32, #tpu.memory_space<hbm>>) target_semaphore(%run_scoped3A : memref<!tpu.dma_semaphore, #tpu.memory_space<semaphore_mem>>)
        %dma_wait3A_20 = arith.constant 0 : i32
        %dma_wait3A_21 = tpu.memref_slice %arg4[%add3A_11, %dma_wait3A_20] : memref<8192x256xf32, #tpu.memory_space<hbm>> -> memref<128x256xf32, #tpu.memory_space<hbm>>
        %dma_wait3A_22 = arith.constant 0 : i32
        %dma_wait3A_23 = tpu.memref_slice %arg4[%add3A_11, %dma_wait3A_22] : memref<8192x256xf32, #tpu.memory_space<hbm>> -> memref<128x256xf32, #tpu.memory_space<hbm>>
        tpu.wait_dma2 semaphore(%run_scoped3A : memref<!tpu.dma_semaphore, #tpu.memory_space<semaphore_mem>>) src(%arg6 : memref<128x256xf32, #tpu.memory_space<vmem>>) dst(%dma_wait3A_23 : memref<128x256xf32, #tpu.memory_space<hbm>>)
        tpu.yield
      }) : () -> ()
    }
    %scan3A_5 = arith.constant 2 : i32
    return
  }
}

#map = affine_map<(d0, d1) -> (0)>
#map1 = affine_map<(d0, d1) -> (0, 0)>
module attributes {stable_mosaic.version = 14 : i64} {
  func.func @deg_kernel(%arg0: i32, %arg1: i32, %arg2: memref<320000xi32, #tpu.memory_space<hbm>>, %arg3: memref<10240x128xf32, #tpu.memory_space<hbm>>, %arg4: memref<80x128xf32, #tpu.memory_space<hbm>>, %arg5: memref<20480x128xf32, #tpu.memory_space<hbm>>, %arg6: memref<10240x128xf32, #tpu.memory_space<vmem_shared>>, %arg7: memref<80xi32, #tpu.memory_space<vmem>>, %arg8: memref<80x128xf32, #tpu.memory_space<vmem>>) attributes {dimension_semantics = [#tpu.dimension_semantics<core_parallel>, #tpu.dimension_semantics<subcore_parallel>], iteration_bounds = array<i64: 2, 16>, scalar_prefetch = 0 : i64, scratch_operands = 3 : i64, tpu.core_type = #tpu.core_type<sc_vector_subcore>, window_params = [{transform_indices = #map}, {transform_indices = #map1}, {transform_indices = #map1}, {transform_indices = #map1}]} {
    %mul3A = arith.constant 640 : i32
    %mul3A_0 = arith.muli %arg1, %mul3A : i32
    %mul3A_1 = arith.constant 640 : i32
    %mul3A_2 = arith.muli %arg1, %mul3A_1 : i32
    "tpu.region"() ({
      %run_scoped3A = tpu.sem_alloc : memref<!tpu.dma_semaphore, #tpu.memory_space<semaphore_mem>>
      %dma_start3A = arith.constant 0 : i32
      %dma_start3A_20 = tpu.memref_slice %arg6[%mul3A_2, %dma_start3A] : memref<10240x128xf32, #tpu.memory_space<vmem_shared>> -> memref<640x128xf32, #tpu.memory_space<vmem_shared>>
      %dma_start3A_21 = arith.constant 0 : i32
      %dma_start3A_22 = tpu.memref_slice %arg3[%mul3A_0, %dma_start3A_21] : memref<10240x128xf32, #tpu.memory_space<hbm>> -> memref<640x128xf32, #tpu.memory_space<hbm>>
      tpu.enqueue_dma source(%dma_start3A_22 : memref<640x128xf32, #tpu.memory_space<hbm>>) target(%dma_start3A_20 : memref<640x128xf32, #tpu.memory_space<vmem_shared>>) target_semaphore(%run_scoped3A : memref<!tpu.dma_semaphore, #tpu.memory_space<semaphore_mem>>)
      %dma_wait3A = arith.constant 0 : i32
      %dma_wait3A_23 = tpu.memref_slice %arg6[%mul3A_2, %dma_wait3A] : memref<10240x128xf32, #tpu.memory_space<vmem_shared>> -> memref<640x128xf32, #tpu.memory_space<vmem_shared>>
      %dma_wait3A_24 = arith.constant 0 : i32
      %dma_wait3A_25 = tpu.memref_slice %arg3[%mul3A_0, %dma_wait3A_24] : memref<10240x128xf32, #tpu.memory_space<hbm>> -> memref<640x128xf32, #tpu.memory_space<hbm>>
      tpu.wait_dma2 semaphore(%run_scoped3A : memref<!tpu.dma_semaphore, #tpu.memory_space<semaphore_mem>>) src(%dma_wait3A_25 : memref<640x128xf32, #tpu.memory_space<hbm>>) dst(%dma_wait3A_23 : memref<640x128xf32, #tpu.memory_space<vmem_shared>>)
      tpu.yield
    }) : () -> ()
    "tpu.region"() ({
      %run_scoped3A = tpu.sem_alloc : memref<!tpu.dma_semaphore, #tpu.memory_space<semaphore_mem>>
      tpu.enqueue_dma source(%arg4 : memref<80x128xf32, #tpu.memory_space<hbm>>) target(%arg8 : memref<80x128xf32, #tpu.memory_space<vmem>>) target_semaphore(%run_scoped3A : memref<!tpu.dma_semaphore, #tpu.memory_space<semaphore_mem>>)
      tpu.wait_dma2 semaphore(%run_scoped3A : memref<!tpu.dma_semaphore, #tpu.memory_space<semaphore_mem>>) src(%arg4 : memref<80x128xf32, #tpu.memory_space<hbm>>) dst(%arg8 : memref<80x128xf32, #tpu.memory_space<vmem>>)
      tpu.yield
    }) : () -> ()
    %barrier3A = arith.constant 0 : index
    tpu.barrier barrier_id(%barrier3A)
    %mul3A_3 = arith.constant 16 : i32
    %mul3A_4 = arith.muli %arg0, %mul3A_3 : i32
    %add3A = arith.addi %mul3A_4, %arg1 : i32
    %mul3A_5 = arith.constant 10000 : i32
    %mul3A_6 = arith.muli %add3A, %mul3A_5 : i32
    %scan3A = arith.constant 0 : i32
    %scan3A_7 = arith.constant 0 : i32
    %scan3A_8 = arith.constant 125 : i32
    %scan3A_9 = arith.addi %scan3A_7, %scan3A_8 : i32
    %scan3A_10 = arith.constant 1 : i32
    scf.for %scan3A_20 = %scan3A_7 to %scan3A_9 step %scan3A_10  : i32 {
      %mul3A_21 = arith.constant 80 : i32
      %mul3A_22 = arith.muli %scan3A_20, %mul3A_21 : i32
      %add3A_23 = arith.addi %mul3A_6, %mul3A_22 : i32
      "tpu.region"() ({
        %run_scoped3A = tpu.sem_alloc : memref<!tpu.dma_semaphore, #tpu.memory_space<semaphore_mem>>
        %dma_start3A = tpu.memref_slice %arg2[%add3A_23] : memref<320000xi32, #tpu.memory_space<hbm>> -> memref<80xi32, #tpu.memory_space<hbm>>
        %dma_start3A_24 = tpu.memref_slice %arg2[%add3A_23] : memref<320000xi32, #tpu.memory_space<hbm>> -> memref<80xi32, #tpu.memory_space<hbm>>
        tpu.enqueue_dma source(%dma_start3A_24 : memref<80xi32, #tpu.memory_space<hbm>>) target(%arg7 : memref<80xi32, #tpu.memory_space<vmem>>) target_semaphore(%run_scoped3A : memref<!tpu.dma_semaphore, #tpu.memory_space<semaphore_mem>>)
        %dma_wait3A = tpu.memref_slice %arg2[%add3A_23] : memref<320000xi32, #tpu.memory_space<hbm>> -> memref<80xi32, #tpu.memory_space<hbm>>
        %dma_wait3A_25 = tpu.memref_slice %arg2[%add3A_23] : memref<320000xi32, #tpu.memory_space<hbm>> -> memref<80xi32, #tpu.memory_space<hbm>>
        tpu.wait_dma2 semaphore(%run_scoped3A : memref<!tpu.dma_semaphore, #tpu.memory_space<semaphore_mem>>) src(%dma_wait3A_25 : memref<80xi32, #tpu.memory_space<hbm>>) dst(%arg7 : memref<80xi32, #tpu.memory_space<vmem>>)
        tpu.yield
      }) : () -> ()
      "tpu.region"() ({
        %run_scoped3A = tpu.sem_alloc : memref<!tpu.dma_semaphore, #tpu.memory_space<semaphore_mem>>
        %dma_start3A = arith.constant 0 : i32
        %dma_start3A_24 = arith.constant 0 : i32
        %dma_start3A_25 = tpu.memref_slice %arg6[%dma_start3A, %dma_start3A_24] : memref<10240x128xf32, #tpu.memory_space<vmem_shared>> -> memref<10240x128xf32, #tpu.memory_space<vmem_shared>>
        tpu.enqueue_indirect_dma source(%arg8 : memref<80x128xf32, #tpu.memory_space<vmem>>) target(%dma_start3A_25 : memref<10240x128xf32, #tpu.memory_space<vmem_shared>>) offsets(%arg7 : memref<80xi32, #tpu.memory_space<vmem>>) semaphore(%run_scoped3A : memref<!tpu.dma_semaphore, #tpu.memory_space<semaphore_mem>>) {add = true}
        %dma_wait3A = arith.constant 0 : i32
        %dma_wait3A_26 = arith.constant 0 : i32
        %dma_wait3A_27 = tpu.memref_slice %arg6[%dma_wait3A, %dma_wait3A_26] : memref<10240x128xf32, #tpu.memory_space<vmem_shared>> -> memref<10240x128xf32, #tpu.memory_space<vmem_shared>>
        tpu.wait_indirect_dma semaphore(%run_scoped3A : memref<!tpu.dma_semaphore, #tpu.memory_space<semaphore_mem>>) src(%arg8 : memref<80x128xf32, #tpu.memory_space<vmem>>) dst(%dma_wait3A_27 : memref<10240x128xf32, #tpu.memory_space<vmem_shared>>)
        tpu.yield
      }) : () -> ()
    }
    %scan3A_11 = arith.constant 125 : i32
    %barrier3A_12 = arith.constant 0 : index
    tpu.barrier barrier_id(%barrier3A_12)
    %mul3A_13 = arith.constant 640 : i32
    %mul3A_14 = arith.muli %arg1, %mul3A_13 : i32
    %mul3A_15 = arith.constant 10240 : i32
    %mul3A_16 = arith.muli %arg0, %mul3A_15 : i32
    %mul3A_17 = arith.constant 640 : i32
    %mul3A_18 = arith.muli %arg1, %mul3A_17 : i32
    %add3A_19 = arith.addi %mul3A_16, %mul3A_18 : i32
    "tpu.region"() ({
      %run_scoped3A = tpu.sem_alloc : memref<!tpu.dma_semaphore, #tpu.memory_space<semaphore_mem>>
      %dma_start3A = arith.constant 0 : i32
      %dma_start3A_20 = tpu.memref_slice %arg5[%add3A_19, %dma_start3A] : memref<20480x128xf32, #tpu.memory_space<hbm>> -> memref<640x128xf32, #tpu.memory_space<hbm>>
      %dma_start3A_21 = arith.constant 0 : i32
      %dma_start3A_22 = tpu.memref_slice %arg6[%mul3A_14, %dma_start3A_21] : memref<10240x128xf32, #tpu.memory_space<vmem_shared>> -> memref<640x128xf32, #tpu.memory_space<vmem_shared>>
      tpu.enqueue_dma source(%dma_start3A_22 : memref<640x128xf32, #tpu.memory_space<vmem_shared>>) target(%dma_start3A_20 : memref<640x128xf32, #tpu.memory_space<hbm>>) target_semaphore(%run_scoped3A : memref<!tpu.dma_semaphore, #tpu.memory_space<semaphore_mem>>)
      %dma_wait3A = arith.constant 0 : i32
      %dma_wait3A_23 = tpu.memref_slice %arg5[%add3A_19, %dma_wait3A] : memref<20480x128xf32, #tpu.memory_space<hbm>> -> memref<640x128xf32, #tpu.memory_space<hbm>>
      %dma_wait3A_24 = arith.constant 0 : i32
      %dma_wait3A_25 = tpu.memref_slice %arg6[%mul3A_14, %dma_wait3A_24] : memref<10240x128xf32, #tpu.memory_space<vmem_shared>> -> memref<640x128xf32, #tpu.memory_space<vmem_shared>>
      tpu.wait_dma2 semaphore(%run_scoped3A : memref<!tpu.dma_semaphore, #tpu.memory_space<semaphore_mem>>) src(%dma_wait3A_25 : memref<640x128xf32, #tpu.memory_space<vmem_shared>>) dst(%dma_wait3A_23 : memref<640x128xf32, #tpu.memory_space<hbm>>)
      tpu.yield
    }) : () -> ()
    return
  }
}

#map = affine_map<(d0, d1) -> (0, 0)>
#map1 = affine_map<(d0, d1) -> (0)>
module attributes {stable_mosaic.version = 14 : i64} {
  func.func @agg_kernel(%arg0: i32, %arg1: i32, %arg2: memref<20480x128xf32, #tpu.memory_space<hbm>>, %arg3: memref<640000xi32, #tpu.memory_space<hbm>>, %arg4: memref<320000xi32, #tpu.memory_space<hbm>>, %arg5: memref<20480x128xf32, #tpu.memory_space<hbm>>, %arg6: memref<10240x128xf32, #tpu.memory_space<vmem_shared>>, %arg7: memref<80xi32, #tpu.memory_space<vmem>>, %arg8: memref<80xi32, #tpu.memory_space<vmem>>, %arg9: memref<80xi32, #tpu.memory_space<vmem>>, %arg10: memref<80xi32, #tpu.memory_space<vmem>>, %arg11: memref<80x128xf32, #tpu.memory_space<vmem>>, %arg12: memref<80x128xf32, #tpu.memory_space<vmem>>, %arg13: memref<!tpu.dma_semaphore, #tpu.memory_space<semaphore_mem>>, %arg14: memref<!tpu.dma_semaphore, #tpu.memory_space<semaphore_mem>>) attributes {dimension_semantics = [#tpu.dimension_semantics<core_parallel>, #tpu.dimension_semantics<subcore_parallel>], iteration_bounds = array<i64: 2, 16>, scalar_prefetch = 0 : i64, scratch_operands = 9 : i64, tpu.core_type = #tpu.core_type<sc_vector_subcore>, window_params = [{transform_indices = #map}, {transform_indices = #map1}, {transform_indices = #map1}, {transform_indices = #map}]} {
    %mul3A = arith.constant 10240 : i32
    %mul3A_0 = arith.muli %arg0, %mul3A : i32
    %mul3A_1 = arith.constant 640 : i32
    %mul3A_2 = arith.muli %arg1, %mul3A_1 : i32
    %add3A = arith.addi %mul3A_0, %mul3A_2 : i32
    %mul3A_3 = arith.constant 640 : i32
    %mul3A_4 = arith.muli %arg1, %mul3A_3 : i32
    "tpu.region"() ({
      %run_scoped3A = tpu.sem_alloc : memref<!tpu.dma_semaphore, #tpu.memory_space<semaphore_mem>>
      %dma_start3A_29 = arith.constant 0 : i32
      %dma_start3A_30 = tpu.memref_slice %arg6[%mul3A_4, %dma_start3A_29] : memref<10240x128xf32, #tpu.memory_space<vmem_shared>> -> memref<640x128xf32, #tpu.memory_space<vmem_shared>>
      %dma_start3A_31 = arith.constant 0 : i32
      %dma_start3A_32 = tpu.memref_slice %arg2[%add3A, %dma_start3A_31] : memref<20480x128xf32, #tpu.memory_space<hbm>> -> memref<640x128xf32, #tpu.memory_space<hbm>>
      tpu.enqueue_dma source(%dma_start3A_32 : memref<640x128xf32, #tpu.memory_space<hbm>>) target(%dma_start3A_30 : memref<640x128xf32, #tpu.memory_space<vmem_shared>>) target_semaphore(%run_scoped3A : memref<!tpu.dma_semaphore, #tpu.memory_space<semaphore_mem>>)
      %dma_wait3A = arith.constant 0 : i32
      %dma_wait3A_33 = tpu.memref_slice %arg6[%mul3A_4, %dma_wait3A] : memref<10240x128xf32, #tpu.memory_space<vmem_shared>> -> memref<640x128xf32, #tpu.memory_space<vmem_shared>>
      %dma_wait3A_34 = arith.constant 0 : i32
      %dma_wait3A_35 = tpu.memref_slice %arg2[%add3A, %dma_wait3A_34] : memref<20480x128xf32, #tpu.memory_space<hbm>> -> memref<640x128xf32, #tpu.memory_space<hbm>>
      tpu.wait_dma2 semaphore(%run_scoped3A : memref<!tpu.dma_semaphore, #tpu.memory_space<semaphore_mem>>) src(%dma_wait3A_35 : memref<640x128xf32, #tpu.memory_space<hbm>>) dst(%dma_wait3A_33 : memref<640x128xf32, #tpu.memory_space<vmem_shared>>)
      tpu.yield
    }) : () -> ()
    %barrier3A = arith.constant 0 : index
    tpu.barrier barrier_id(%barrier3A)
    %mul3A_5 = arith.constant 320000 : i32
    %mul3A_6 = arith.muli %arg0, %mul3A_5 : i32
    %mul3A_7 = arith.constant 20000 : i32
    %mul3A_8 = arith.muli %arg1, %mul3A_7 : i32
    %add3A_9 = arith.addi %mul3A_6, %mul3A_8 : i32
    %mul3A_10 = arith.constant 20000 : i32
    %mul3A_11 = arith.muli %arg1, %mul3A_10 : i32
    %add3A_12 = arith.constant 0 : i32
    %add3A_13 = arith.addi %add3A_9, %add3A_12 : i32
    "tpu.region"() ({
      %run_scoped3A = tpu.sem_alloc : memref<!tpu.dma_semaphore, #tpu.memory_space<semaphore_mem>>
      %dma_start3A_29 = tpu.memref_slice %arg3[%add3A_13] : memref<640000xi32, #tpu.memory_space<hbm>> -> memref<80xi32, #tpu.memory_space<hbm>>
      %dma_start3A_30 = tpu.memref_slice %arg3[%add3A_13] : memref<640000xi32, #tpu.memory_space<hbm>> -> memref<80xi32, #tpu.memory_space<hbm>>
      tpu.enqueue_dma source(%dma_start3A_30 : memref<80xi32, #tpu.memory_space<hbm>>) target(%arg7 : memref<80xi32, #tpu.memory_space<vmem>>) target_semaphore(%run_scoped3A : memref<!tpu.dma_semaphore, #tpu.memory_space<semaphore_mem>>)
      %dma_wait3A = tpu.memref_slice %arg3[%add3A_13] : memref<640000xi32, #tpu.memory_space<hbm>> -> memref<80xi32, #tpu.memory_space<hbm>>
      %dma_wait3A_31 = tpu.memref_slice %arg3[%add3A_13] : memref<640000xi32, #tpu.memory_space<hbm>> -> memref<80xi32, #tpu.memory_space<hbm>>
      tpu.wait_dma2 semaphore(%run_scoped3A : memref<!tpu.dma_semaphore, #tpu.memory_space<semaphore_mem>>) src(%dma_wait3A_31 : memref<80xi32, #tpu.memory_space<hbm>>) dst(%arg7 : memref<80xi32, #tpu.memory_space<vmem>>)
      tpu.yield
    }) : () -> ()
    %add3A_14 = arith.constant 0 : i32
    %add3A_15 = arith.addi %mul3A_11, %add3A_14 : i32
    "tpu.region"() ({
      %run_scoped3A = tpu.sem_alloc : memref<!tpu.dma_semaphore, #tpu.memory_space<semaphore_mem>>
      %dma_start3A_29 = tpu.memref_slice %arg4[%add3A_15] : memref<320000xi32, #tpu.memory_space<hbm>> -> memref<80xi32, #tpu.memory_space<hbm>>
      %dma_start3A_30 = tpu.memref_slice %arg4[%add3A_15] : memref<320000xi32, #tpu.memory_space<hbm>> -> memref<80xi32, #tpu.memory_space<hbm>>
      tpu.enqueue_dma source(%dma_start3A_30 : memref<80xi32, #tpu.memory_space<hbm>>) target(%arg9 : memref<80xi32, #tpu.memory_space<vmem>>) target_semaphore(%run_scoped3A : memref<!tpu.dma_semaphore, #tpu.memory_space<semaphore_mem>>)
      %dma_wait3A = tpu.memref_slice %arg4[%add3A_15] : memref<320000xi32, #tpu.memory_space<hbm>> -> memref<80xi32, #tpu.memory_space<hbm>>
      %dma_wait3A_31 = tpu.memref_slice %arg4[%add3A_15] : memref<320000xi32, #tpu.memory_space<hbm>> -> memref<80xi32, #tpu.memory_space<hbm>>
      tpu.wait_dma2 semaphore(%run_scoped3A : memref<!tpu.dma_semaphore, #tpu.memory_space<semaphore_mem>>) src(%dma_wait3A_31 : memref<80xi32, #tpu.memory_space<hbm>>) dst(%arg9 : memref<80xi32, #tpu.memory_space<vmem>>)
      tpu.yield
    }) : () -> ()
    %dma_start3A = arith.constant 0 : i32
    %dma_start3A_16 = arith.constant 0 : i32
    %dma_start3A_17 = tpu.memref_slice %arg2[%dma_start3A, %dma_start3A_16] : memref<20480x128xf32, #tpu.memory_space<hbm>> -> memref<20480x128xf32, #tpu.memory_space<hbm>>
    tpu.enqueue_indirect_dma source(%dma_start3A_17 : memref<20480x128xf32, #tpu.memory_space<hbm>>) target(%arg11 : memref<80x128xf32, #tpu.memory_space<vmem>>) offsets(%arg7 : memref<80xi32, #tpu.memory_space<vmem>>) semaphore(%arg13 : memref<!tpu.dma_semaphore, #tpu.memory_space<semaphore_mem>>)
    %scan3A = arith.constant 0 : i32
    %scan3A_18 = arith.constant 0 : i32
    %scan3A_19 = arith.constant 125 : i32
    %scan3A_20 = arith.addi %scan3A_18, %scan3A_19 : i32
    %scan3A_21 = arith.constant 1 : i32
    scf.for %scan3A_29 = %scan3A_18 to %scan3A_20 step %scan3A_21  : i32 {
      %mul3A_30 = arith.constant 2 : i32
      %mul3A_31 = arith.muli %mul3A_30, %scan3A_29 : i32
      %add3A_32 = arith.constant 1 : i32
      %add3A_33 = arith.addi %mul3A_31, %add3A_32 : i32
      %mul3A_34 = arith.constant 80 : i32
      %mul3A_35 = arith.muli %add3A_33, %mul3A_34 : i32
      %add3A_36 = arith.addi %add3A_9, %mul3A_35 : i32
      "tpu.region"() ({
        %run_scoped3A = tpu.sem_alloc : memref<!tpu.dma_semaphore, #tpu.memory_space<semaphore_mem>>
        %dma_start3A_52 = tpu.memref_slice %arg3[%add3A_36] : memref<640000xi32, #tpu.memory_space<hbm>> -> memref<80xi32, #tpu.memory_space<hbm>>
        %dma_start3A_53 = tpu.memref_slice %arg3[%add3A_36] : memref<640000xi32, #tpu.memory_space<hbm>> -> memref<80xi32, #tpu.memory_space<hbm>>
        tpu.enqueue_dma source(%dma_start3A_53 : memref<80xi32, #tpu.memory_space<hbm>>) target(%arg8 : memref<80xi32, #tpu.memory_space<vmem>>) target_semaphore(%run_scoped3A : memref<!tpu.dma_semaphore, #tpu.memory_space<semaphore_mem>>)
        %dma_wait3A_54 = tpu.memref_slice %arg3[%add3A_36] : memref<640000xi32, #tpu.memory_space<hbm>> -> memref<80xi32, #tpu.memory_space<hbm>>
        %dma_wait3A_55 = tpu.memref_slice %arg3[%add3A_36] : memref<640000xi32, #tpu.memory_space<hbm>> -> memref<80xi32, #tpu.memory_space<hbm>>
        tpu.wait_dma2 semaphore(%run_scoped3A : memref<!tpu.dma_semaphore, #tpu.memory_space<semaphore_mem>>) src(%dma_wait3A_55 : memref<80xi32, #tpu.memory_space<hbm>>) dst(%arg8 : memref<80xi32, #tpu.memory_space<vmem>>)
        tpu.yield
      }) : () -> ()
      %mul3A_37 = arith.constant 80 : i32
      %mul3A_38 = arith.muli %add3A_33, %mul3A_37 : i32
      %add3A_39 = arith.addi %mul3A_11, %mul3A_38 : i32
      "tpu.region"() ({
        %run_scoped3A = tpu.sem_alloc : memref<!tpu.dma_semaphore, #tpu.memory_space<semaphore_mem>>
        %dma_start3A_52 = tpu.memref_slice %arg4[%add3A_39] : memref<320000xi32, #tpu.memory_space<hbm>> -> memref<80xi32, #tpu.memory_space<hbm>>
        %dma_start3A_53 = tpu.memref_slice %arg4[%add3A_39] : memref<320000xi32, #tpu.memory_space<hbm>> -> memref<80xi32, #tpu.memory_space<hbm>>
        tpu.enqueue_dma source(%dma_start3A_53 : memref<80xi32, #tpu.memory_space<hbm>>) target(%arg10 : memref<80xi32, #tpu.memory_space<vmem>>) target_semaphore(%run_scoped3A : memref<!tpu.dma_semaphore, #tpu.memory_space<semaphore_mem>>)
        %dma_wait3A_54 = tpu.memref_slice %arg4[%add3A_39] : memref<320000xi32, #tpu.memory_space<hbm>> -> memref<80xi32, #tpu.memory_space<hbm>>
        %dma_wait3A_55 = tpu.memref_slice %arg4[%add3A_39] : memref<320000xi32, #tpu.memory_space<hbm>> -> memref<80xi32, #tpu.memory_space<hbm>>
        tpu.wait_dma2 semaphore(%run_scoped3A : memref<!tpu.dma_semaphore, #tpu.memory_space<semaphore_mem>>) src(%dma_wait3A_55 : memref<80xi32, #tpu.memory_space<hbm>>) dst(%arg10 : memref<80xi32, #tpu.memory_space<vmem>>)
        tpu.yield
      }) : () -> ()
      %dma_start3A_40 = arith.constant 0 : i32
      %dma_start3A_41 = arith.constant 0 : i32
      %dma_start3A_42 = tpu.memref_slice %arg2[%dma_start3A_40, %dma_start3A_41] : memref<20480x128xf32, #tpu.memory_space<hbm>> -> memref<20480x128xf32, #tpu.memory_space<hbm>>
      tpu.enqueue_indirect_dma source(%dma_start3A_42 : memref<20480x128xf32, #tpu.memory_space<hbm>>) target(%arg12 : memref<80x128xf32, #tpu.memory_space<vmem>>) offsets(%arg8 : memref<80xi32, #tpu.memory_space<vmem>>) semaphore(%arg14 : memref<!tpu.dma_semaphore, #tpu.memory_space<semaphore_mem>>)
      %dma_wait3A = arith.constant 0 : i32
      %dma_wait3A_43 = arith.constant 0 : i32
      %dma_wait3A_44 = tpu.memref_slice %arg2[%dma_wait3A, %dma_wait3A_43] : memref<20480x128xf32, #tpu.memory_space<hbm>> -> memref<20480x128xf32, #tpu.memory_space<hbm>>
      tpu.wait_indirect_dma semaphore(%arg13 : memref<!tpu.dma_semaphore, #tpu.memory_space<semaphore_mem>>) src(%dma_wait3A_44 : memref<20480x128xf32, #tpu.memory_space<hbm>>) dst(%arg11 : memref<80x128xf32, #tpu.memory_space<vmem>>)
      "tpu.region"() ({
        %run_scoped3A = tpu.sem_alloc : memref<!tpu.dma_semaphore, #tpu.memory_space<semaphore_mem>>
        %dma_start3A_52 = arith.constant 0 : i32
        %dma_start3A_53 = arith.constant 0 : i32
        %dma_start3A_54 = tpu.memref_slice %arg6[%dma_start3A_52, %dma_start3A_53] : memref<10240x128xf32, #tpu.memory_space<vmem_shared>> -> memref<10240x128xf32, #tpu.memory_space<vmem_shared>>
        tpu.enqueue_indirect_dma source(%arg11 : memref<80x128xf32, #tpu.memory_space<vmem>>) target(%dma_start3A_54 : memref<10240x128xf32, #tpu.memory_space<vmem_shared>>) offsets(%arg9 : memref<80xi32, #tpu.memory_space<vmem>>) semaphore(%run_scoped3A : memref<!tpu.dma_semaphore, #tpu.memory_space<semaphore_mem>>) {add = true}
        %dma_wait3A_55 = arith.constant 0 : i32
        %dma_wait3A_56 = arith.constant 0 : i32
        %dma_wait3A_57 = tpu.memref_slice %arg6[%dma_wait3A_55, %dma_wait3A_56] : memref<10240x128xf32, #tpu.memory_space<vmem_shared>> -> memref<10240x128xf32, #tpu.memory_space<vmem_shared>>
        tpu.wait_indirect_dma semaphore(%run_scoped3A : memref<!tpu.dma_semaphore, #tpu.memory_space<semaphore_mem>>) src(%arg11 : memref<80x128xf32, #tpu.memory_space<vmem>>) dst(%dma_wait3A_57 : memref<10240x128xf32, #tpu.memory_space<vmem_shared>>)
        tpu.yield
      }) : () -> ()
      %add3A_45 = arith.constant 2 : i32
      %add3A_46 = arith.addi %mul3A_31, %add3A_45 : i32
      %lt3A = arith.constant 250 : i32
      %lt3A_47 = arith.cmpi slt, %add3A_46, %lt3A : i32
      %convert_element_type3A = arith.extui %lt3A_47 : i1 to i32
      %cond3A = arith.constant 0 : i32
      %cond3A_48 = arith.cmpi ne, %convert_element_type3A, %cond3A : i32
      scf.if %cond3A_48 {
        %add3A_52 = arith.constant 2 : i32
        %add3A_53 = arith.addi %mul3A_31, %add3A_52 : i32
        %mul3A_54 = arith.constant 80 : i32
        %mul3A_55 = arith.muli %add3A_53, %mul3A_54 : i32
        %add3A_56 = arith.addi %add3A_9, %mul3A_55 : i32
        "tpu.region"() ({
          %run_scoped3A = tpu.sem_alloc : memref<!tpu.dma_semaphore, #tpu.memory_space<semaphore_mem>>
          %dma_start3A_63 = tpu.memref_slice %arg3[%add3A_56] : memref<640000xi32, #tpu.memory_space<hbm>> -> memref<80xi32, #tpu.memory_space<hbm>>
          %dma_start3A_64 = tpu.memref_slice %arg3[%add3A_56] : memref<640000xi32, #tpu.memory_space<hbm>> -> memref<80xi32, #tpu.memory_space<hbm>>
          tpu.enqueue_dma source(%dma_start3A_64 : memref<80xi32, #tpu.memory_space<hbm>>) target(%arg7 : memref<80xi32, #tpu.memory_space<vmem>>) target_semaphore(%run_scoped3A : memref<!tpu.dma_semaphore, #tpu.memory_space<semaphore_mem>>)
          %dma_wait3A_65 = tpu.memref_slice %arg3[%add3A_56] : memref<640000xi32, #tpu.memory_space<hbm>> -> memref<80xi32, #tpu.memory_space<hbm>>
          %dma_wait3A_66 = tpu.memref_slice %arg3[%add3A_56] : memref<640000xi32, #tpu.memory_space<hbm>> -> memref<80xi32, #tpu.memory_space<hbm>>
          tpu.wait_dma2 semaphore(%run_scoped3A : memref<!tpu.dma_semaphore, #tpu.memory_space<semaphore_mem>>) src(%dma_wait3A_66 : memref<80xi32, #tpu.memory_space<hbm>>) dst(%arg7 : memref<80xi32, #tpu.memory_space<vmem>>)
          tpu.yield
        }) : () -> ()
        %mul3A_57 = arith.constant 80 : i32
        %mul3A_58 = arith.muli %add3A_53, %mul3A_57 : i32
        %add3A_59 = arith.addi %mul3A_11, %mul3A_58 : i32
        "tpu.region"() ({
          %run_scoped3A = tpu.sem_alloc : memref<!tpu.dma_semaphore, #tpu.memory_space<semaphore_mem>>
          %dma_start3A_63 = tpu.memref_slice %arg4[%add3A_59] : memref<320000xi32, #tpu.memory_space<hbm>> -> memref<80xi32, #tpu.memory_space<hbm>>
          %dma_start3A_64 = tpu.memref_slice %arg4[%add3A_59] : memref<320000xi32, #tpu.memory_space<hbm>> -> memref<80xi32, #tpu.memory_space<hbm>>
          tpu.enqueue_dma source(%dma_start3A_64 : memref<80xi32, #tpu.memory_space<hbm>>) target(%arg9 : memref<80xi32, #tpu.memory_space<vmem>>) target_semaphore(%run_scoped3A : memref<!tpu.dma_semaphore, #tpu.memory_space<semaphore_mem>>)
          %dma_wait3A_65 = tpu.memref_slice %arg4[%add3A_59] : memref<320000xi32, #tpu.memory_space<hbm>> -> memref<80xi32, #tpu.memory_space<hbm>>
          %dma_wait3A_66 = tpu.memref_slice %arg4[%add3A_59] : memref<320000xi32, #tpu.memory_space<hbm>> -> memref<80xi32, #tpu.memory_space<hbm>>
          tpu.wait_dma2 semaphore(%run_scoped3A : memref<!tpu.dma_semaphore, #tpu.memory_space<semaphore_mem>>) src(%dma_wait3A_66 : memref<80xi32, #tpu.memory_space<hbm>>) dst(%arg9 : memref<80xi32, #tpu.memory_space<vmem>>)
          tpu.yield
        }) : () -> ()
        %dma_start3A_60 = arith.constant 0 : i32
        %dma_start3A_61 = arith.constant 0 : i32
        %dma_start3A_62 = tpu.memref_slice %arg2[%dma_start3A_60, %dma_start3A_61] : memref<20480x128xf32, #tpu.memory_space<hbm>> -> memref<20480x128xf32, #tpu.memory_space<hbm>>
        tpu.enqueue_indirect_dma source(%dma_start3A_62 : memref<20480x128xf32, #tpu.memory_space<hbm>>) target(%arg11 : memref<80x128xf32, #tpu.memory_space<vmem>>) offsets(%arg7 : memref<80xi32, #tpu.memory_space<vmem>>) semaphore(%arg13 : memref<!tpu.dma_semaphore, #tpu.memory_space<semaphore_mem>>)
      } else {
      }
      %dma_wait3A_49 = arith.constant 0 : i32
      %dma_wait3A_50 = arith.constant 0 : i32
      %dma_wait3A_51 = tpu.memref_slice %arg2[%dma_wait3A_49, %dma_wait3A_50] : memref<20480x128xf32, #tpu.memory_space<hbm>> -> memref<20480x128xf32, #tpu.memory_space<hbm>>
      tpu.wait_indirect_dma semaphore(%arg14 : memref<!tpu.dma_semaphore, #tpu.memory_space<semaphore_mem>>) src(%dma_wait3A_51 : memref<20480x128xf32, #tpu.memory_space<hbm>>) dst(%arg12 : memref<80x128xf32, #tpu.memory_space<vmem>>)
      "tpu.region"() ({
        %run_scoped3A = tpu.sem_alloc : memref<!tpu.dma_semaphore, #tpu.memory_space<semaphore_mem>>
        %dma_start3A_52 = arith.constant 0 : i32
        %dma_start3A_53 = arith.constant 0 : i32
        %dma_start3A_54 = tpu.memref_slice %arg6[%dma_start3A_52, %dma_start3A_53] : memref<10240x128xf32, #tpu.memory_space<vmem_shared>> -> memref<10240x128xf32, #tpu.memory_space<vmem_shared>>
        tpu.enqueue_indirect_dma source(%arg12 : memref<80x128xf32, #tpu.memory_space<vmem>>) target(%dma_start3A_54 : memref<10240x128xf32, #tpu.memory_space<vmem_shared>>) offsets(%arg10 : memref<80xi32, #tpu.memory_space<vmem>>) semaphore(%run_scoped3A : memref<!tpu.dma_semaphore, #tpu.memory_space<semaphore_mem>>) {add = true}
        %dma_wait3A_55 = arith.constant 0 : i32
        %dma_wait3A_56 = arith.constant 0 : i32
        %dma_wait3A_57 = tpu.memref_slice %arg6[%dma_wait3A_55, %dma_wait3A_56] : memref<10240x128xf32, #tpu.memory_space<vmem_shared>> -> memref<10240x128xf32, #tpu.memory_space<vmem_shared>>
        tpu.wait_indirect_dma semaphore(%run_scoped3A : memref<!tpu.dma_semaphore, #tpu.memory_space<semaphore_mem>>) src(%arg12 : memref<80x128xf32, #tpu.memory_space<vmem>>) dst(%dma_wait3A_57 : memref<10240x128xf32, #tpu.memory_space<vmem_shared>>)
        tpu.yield
      }) : () -> ()
    }
    %scan3A_22 = arith.constant 125 : i32
    %barrier3A_23 = arith.constant 0 : index
    tpu.barrier barrier_id(%barrier3A_23)
    %mul3A_24 = arith.constant 640 : i32
    %mul3A_25 = arith.muli %arg1, %mul3A_24 : i32
    %mul3A_26 = arith.constant 640 : i32
    %mul3A_27 = arith.muli %arg1, %mul3A_26 : i32
    %add3A_28 = arith.addi %mul3A_0, %mul3A_27 : i32
    "tpu.region"() ({
      %run_scoped3A = tpu.sem_alloc : memref<!tpu.dma_semaphore, #tpu.memory_space<semaphore_mem>>
      %dma_start3A_29 = arith.constant 0 : i32
      %dma_start3A_30 = tpu.memref_slice %arg5[%add3A_28, %dma_start3A_29] : memref<20480x128xf32, #tpu.memory_space<hbm>> -> memref<640x128xf32, #tpu.memory_space<hbm>>
      %dma_start3A_31 = arith.constant 0 : i32
      %dma_start3A_32 = tpu.memref_slice %arg6[%mul3A_25, %dma_start3A_31] : memref<10240x128xf32, #tpu.memory_space<vmem_shared>> -> memref<640x128xf32, #tpu.memory_space<vmem_shared>>
      tpu.enqueue_dma source(%dma_start3A_32 : memref<640x128xf32, #tpu.memory_space<vmem_shared>>) target(%dma_start3A_30 : memref<640x128xf32, #tpu.memory_space<hbm>>) target_semaphore(%run_scoped3A : memref<!tpu.dma_semaphore, #tpu.memory_space<semaphore_mem>>)
      %dma_wait3A = arith.constant 0 : i32
      %dma_wait3A_33 = tpu.memref_slice %arg5[%add3A_28, %dma_wait3A] : memref<20480x128xf32, #tpu.memory_space<hbm>> -> memref<640x128xf32, #tpu.memory_space<hbm>>
      %dma_wait3A_34 = arith.constant 0 : i32
      %dma_wait3A_35 = tpu.memref_slice %arg6[%mul3A_25, %dma_wait3A_34] : memref<10240x128xf32, #tpu.memory_space<vmem_shared>> -> memref<640x128xf32, #tpu.memory_space<vmem_shared>>
      tpu.wait_dma2 semaphore(%run_scoped3A : memref<!tpu.dma_semaphore, #tpu.memory_space<semaphore_mem>>) src(%dma_wait3A_35 : memref<640x128xf32, #tpu.memory_space<vmem_shared>>) dst(%dma_wait3A_33 : memref<640x128xf32, #tpu.memory_space<hbm>>)
      tpu.yield
    }) : () -> ()
    return
  }
}

#map = affine_map<(d0, d1) -> (0, 0)>
#map1 = affine_map<(d0, d1) -> (0)>
module attributes {stable_mosaic.version = 14 : i64} {
  func.func @agg_kernel(%arg0: i32, %arg1: i32, %arg2: memref<20480x128xf32, #tpu.memory_space<hbm>>, %arg3: memref<640000xi32, #tpu.memory_space<hbm>>, %arg4: memref<320000xi32, #tpu.memory_space<hbm>>, %arg5: memref<20480x128xf32, #tpu.memory_space<hbm>>, %arg6: memref<10240x128xf32, #tpu.memory_space<vmem_shared>>, %arg7: memref<80xi32, #tpu.memory_space<vmem>>, %arg8: memref<80xi32, #tpu.memory_space<vmem>>, %arg9: memref<80xi32, #tpu.memory_space<vmem>>, %arg10: memref<80xi32, #tpu.memory_space<vmem>>, %arg11: memref<80x128xf32, #tpu.memory_space<vmem>>, %arg12: memref<80x128xf32, #tpu.memory_space<vmem>>, %arg13: memref<!tpu.dma_semaphore, #tpu.memory_space<semaphore_mem>>, %arg14: memref<!tpu.dma_semaphore, #tpu.memory_space<semaphore_mem>>) attributes {dimension_semantics = [#tpu.dimension_semantics<core_parallel>, #tpu.dimension_semantics<subcore_parallel>], iteration_bounds = array<i64: 2, 16>, scalar_prefetch = 0 : i64, scratch_operands = 9 : i64, tpu.core_type = #tpu.core_type<sc_vector_subcore>, window_params = [{transform_indices = #map}, {transform_indices = #map1}, {transform_indices = #map1}, {transform_indices = #map}]} {
    %mul3A = arith.constant 10240 : i32
    %mul3A_0 = arith.muli %arg0, %mul3A : i32
    %mul3A_1 = arith.constant 640 : i32
    %mul3A_2 = arith.muli %arg1, %mul3A_1 : i32
    %add3A = arith.addi %mul3A_0, %mul3A_2 : i32
    %mul3A_3 = arith.constant 640 : i32
    %mul3A_4 = arith.muli %arg1, %mul3A_3 : i32
    "tpu.region"() ({
      %run_scoped3A = tpu.sem_alloc : memref<!tpu.dma_semaphore, #tpu.memory_space<semaphore_mem>>
      %dma_start3A_29 = arith.constant 0 : i32
      %dma_start3A_30 = tpu.memref_slice %arg6[%mul3A_4, %dma_start3A_29] : memref<10240x128xf32, #tpu.memory_space<vmem_shared>> -> memref<640x128xf32, #tpu.memory_space<vmem_shared>>
      %dma_start3A_31 = arith.constant 0 : i32
      %dma_start3A_32 = tpu.memref_slice %arg2[%add3A, %dma_start3A_31] : memref<20480x128xf32, #tpu.memory_space<hbm>> -> memref<640x128xf32, #tpu.memory_space<hbm>>
      tpu.enqueue_dma source(%dma_start3A_32 : memref<640x128xf32, #tpu.memory_space<hbm>>) target(%dma_start3A_30 : memref<640x128xf32, #tpu.memory_space<vmem_shared>>) target_semaphore(%run_scoped3A : memref<!tpu.dma_semaphore, #tpu.memory_space<semaphore_mem>>)
      %dma_wait3A = arith.constant 0 : i32
      %dma_wait3A_33 = tpu.memref_slice %arg6[%mul3A_4, %dma_wait3A] : memref<10240x128xf32, #tpu.memory_space<vmem_shared>> -> memref<640x128xf32, #tpu.memory_space<vmem_shared>>
      %dma_wait3A_34 = arith.constant 0 : i32
      %dma_wait3A_35 = tpu.memref_slice %arg2[%add3A, %dma_wait3A_34] : memref<20480x128xf32, #tpu.memory_space<hbm>> -> memref<640x128xf32, #tpu.memory_space<hbm>>
      tpu.wait_dma2 semaphore(%run_scoped3A : memref<!tpu.dma_semaphore, #tpu.memory_space<semaphore_mem>>) src(%dma_wait3A_35 : memref<640x128xf32, #tpu.memory_space<hbm>>) dst(%dma_wait3A_33 : memref<640x128xf32, #tpu.memory_space<vmem_shared>>)
      tpu.yield
    }) : () -> ()
    %barrier3A = arith.constant 0 : index
    tpu.barrier barrier_id(%barrier3A)
    %mul3A_5 = arith.constant 320000 : i32
    %mul3A_6 = arith.muli %arg0, %mul3A_5 : i32
    %mul3A_7 = arith.constant 20000 : i32
    %mul3A_8 = arith.muli %arg1, %mul3A_7 : i32
    %add3A_9 = arith.addi %mul3A_6, %mul3A_8 : i32
    %mul3A_10 = arith.constant 20000 : i32
    %mul3A_11 = arith.muli %arg1, %mul3A_10 : i32
    %add3A_12 = arith.constant 0 : i32
    %add3A_13 = arith.addi %add3A_9, %add3A_12 : i32
    "tpu.region"() ({
      %run_scoped3A = tpu.sem_alloc : memref<!tpu.dma_semaphore, #tpu.memory_space<semaphore_mem>>
      %dma_start3A_29 = tpu.memref_slice %arg3[%add3A_13] : memref<640000xi32, #tpu.memory_space<hbm>> -> memref<80xi32, #tpu.memory_space<hbm>>
      %dma_start3A_30 = tpu.memref_slice %arg3[%add3A_13] : memref<640000xi32, #tpu.memory_space<hbm>> -> memref<80xi32, #tpu.memory_space<hbm>>
      tpu.enqueue_dma source(%dma_start3A_30 : memref<80xi32, #tpu.memory_space<hbm>>) target(%arg7 : memref<80xi32, #tpu.memory_space<vmem>>) target_semaphore(%run_scoped3A : memref<!tpu.dma_semaphore, #tpu.memory_space<semaphore_mem>>)
      %dma_wait3A = tpu.memref_slice %arg3[%add3A_13] : memref<640000xi32, #tpu.memory_space<hbm>> -> memref<80xi32, #tpu.memory_space<hbm>>
      %dma_wait3A_31 = tpu.memref_slice %arg3[%add3A_13] : memref<640000xi32, #tpu.memory_space<hbm>> -> memref<80xi32, #tpu.memory_space<hbm>>
      tpu.wait_dma2 semaphore(%run_scoped3A : memref<!tpu.dma_semaphore, #tpu.memory_space<semaphore_mem>>) src(%dma_wait3A_31 : memref<80xi32, #tpu.memory_space<hbm>>) dst(%arg7 : memref<80xi32, #tpu.memory_space<vmem>>)
      tpu.yield
    }) : () -> ()
    %add3A_14 = arith.constant 0 : i32
    %add3A_15 = arith.addi %mul3A_11, %add3A_14 : i32
    "tpu.region"() ({
      %run_scoped3A = tpu.sem_alloc : memref<!tpu.dma_semaphore, #tpu.memory_space<semaphore_mem>>
      %dma_start3A_29 = tpu.memref_slice %arg4[%add3A_15] : memref<320000xi32, #tpu.memory_space<hbm>> -> memref<80xi32, #tpu.memory_space<hbm>>
      %dma_start3A_30 = tpu.memref_slice %arg4[%add3A_15] : memref<320000xi32, #tpu.memory_space<hbm>> -> memref<80xi32, #tpu.memory_space<hbm>>
      tpu.enqueue_dma source(%dma_start3A_30 : memref<80xi32, #tpu.memory_space<hbm>>) target(%arg9 : memref<80xi32, #tpu.memory_space<vmem>>) target_semaphore(%run_scoped3A : memref<!tpu.dma_semaphore, #tpu.memory_space<semaphore_mem>>)
      %dma_wait3A = tpu.memref_slice %arg4[%add3A_15] : memref<320000xi32, #tpu.memory_space<hbm>> -> memref<80xi32, #tpu.memory_space<hbm>>
      %dma_wait3A_31 = tpu.memref_slice %arg4[%add3A_15] : memref<320000xi32, #tpu.memory_space<hbm>> -> memref<80xi32, #tpu.memory_space<hbm>>
      tpu.wait_dma2 semaphore(%run_scoped3A : memref<!tpu.dma_semaphore, #tpu.memory_space<semaphore_mem>>) src(%dma_wait3A_31 : memref<80xi32, #tpu.memory_space<hbm>>) dst(%arg9 : memref<80xi32, #tpu.memory_space<vmem>>)
      tpu.yield
    }) : () -> ()
    %dma_start3A = arith.constant 0 : i32
    %dma_start3A_16 = arith.constant 0 : i32
    %dma_start3A_17 = tpu.memref_slice %arg2[%dma_start3A, %dma_start3A_16] : memref<20480x128xf32, #tpu.memory_space<hbm>> -> memref<20480x128xf32, #tpu.memory_space<hbm>>
    tpu.enqueue_indirect_dma source(%dma_start3A_17 : memref<20480x128xf32, #tpu.memory_space<hbm>>) target(%arg11 : memref<80x128xf32, #tpu.memory_space<vmem>>) offsets(%arg7 : memref<80xi32, #tpu.memory_space<vmem>>) semaphore(%arg13 : memref<!tpu.dma_semaphore, #tpu.memory_space<semaphore_mem>>)
    %scan3A = arith.constant 0 : i32
    %scan3A_18 = arith.constant 0 : i32
    %scan3A_19 = arith.constant 125 : i32
    %scan3A_20 = arith.addi %scan3A_18, %scan3A_19 : i32
    %scan3A_21 = arith.constant 1 : i32
    scf.for %scan3A_29 = %scan3A_18 to %scan3A_20 step %scan3A_21  : i32 {
      %mul3A_30 = arith.constant 2 : i32
      %mul3A_31 = arith.muli %mul3A_30, %scan3A_29 : i32
      %add3A_32 = arith.constant 1 : i32
      %add3A_33 = arith.addi %mul3A_31, %add3A_32 : i32
      %mul3A_34 = arith.constant 80 : i32
      %mul3A_35 = arith.muli %add3A_33, %mul3A_34 : i32
      %add3A_36 = arith.addi %add3A_9, %mul3A_35 : i32
      "tpu.region"() ({
        %run_scoped3A = tpu.sem_alloc : memref<!tpu.dma_semaphore, #tpu.memory_space<semaphore_mem>>
        %dma_start3A_52 = tpu.memref_slice %arg3[%add3A_36] : memref<640000xi32, #tpu.memory_space<hbm>> -> memref<80xi32, #tpu.memory_space<hbm>>
        %dma_start3A_53 = tpu.memref_slice %arg3[%add3A_36] : memref<640000xi32, #tpu.memory_space<hbm>> -> memref<80xi32, #tpu.memory_space<hbm>>
        tpu.enqueue_dma source(%dma_start3A_53 : memref<80xi32, #tpu.memory_space<hbm>>) target(%arg8 : memref<80xi32, #tpu.memory_space<vmem>>) target_semaphore(%run_scoped3A : memref<!tpu.dma_semaphore, #tpu.memory_space<semaphore_mem>>)
        %dma_wait3A_54 = tpu.memref_slice %arg3[%add3A_36] : memref<640000xi32, #tpu.memory_space<hbm>> -> memref<80xi32, #tpu.memory_space<hbm>>
        %dma_wait3A_55 = tpu.memref_slice %arg3[%add3A_36] : memref<640000xi32, #tpu.memory_space<hbm>> -> memref<80xi32, #tpu.memory_space<hbm>>
        tpu.wait_dma2 semaphore(%run_scoped3A : memref<!tpu.dma_semaphore, #tpu.memory_space<semaphore_mem>>) src(%dma_wait3A_55 : memref<80xi32, #tpu.memory_space<hbm>>) dst(%arg8 : memref<80xi32, #tpu.memory_space<vmem>>)
        tpu.yield
      }) : () -> ()
      %mul3A_37 = arith.constant 80 : i32
      %mul3A_38 = arith.muli %add3A_33, %mul3A_37 : i32
      %add3A_39 = arith.addi %mul3A_11, %mul3A_38 : i32
      "tpu.region"() ({
        %run_scoped3A = tpu.sem_alloc : memref<!tpu.dma_semaphore, #tpu.memory_space<semaphore_mem>>
        %dma_start3A_52 = tpu.memref_slice %arg4[%add3A_39] : memref<320000xi32, #tpu.memory_space<hbm>> -> memref<80xi32, #tpu.memory_space<hbm>>
        %dma_start3A_53 = tpu.memref_slice %arg4[%add3A_39] : memref<320000xi32, #tpu.memory_space<hbm>> -> memref<80xi32, #tpu.memory_space<hbm>>
        tpu.enqueue_dma source(%dma_start3A_53 : memref<80xi32, #tpu.memory_space<hbm>>) target(%arg10 : memref<80xi32, #tpu.memory_space<vmem>>) target_semaphore(%run_scoped3A : memref<!tpu.dma_semaphore, #tpu.memory_space<semaphore_mem>>)
        %dma_wait3A_54 = tpu.memref_slice %arg4[%add3A_39] : memref<320000xi32, #tpu.memory_space<hbm>> -> memref<80xi32, #tpu.memory_space<hbm>>
        %dma_wait3A_55 = tpu.memref_slice %arg4[%add3A_39] : memref<320000xi32, #tpu.memory_space<hbm>> -> memref<80xi32, #tpu.memory_space<hbm>>
        tpu.wait_dma2 semaphore(%run_scoped3A : memref<!tpu.dma_semaphore, #tpu.memory_space<semaphore_mem>>) src(%dma_wait3A_55 : memref<80xi32, #tpu.memory_space<hbm>>) dst(%arg10 : memref<80xi32, #tpu.memory_space<vmem>>)
        tpu.yield
      }) : () -> ()
      %dma_start3A_40 = arith.constant 0 : i32
      %dma_start3A_41 = arith.constant 0 : i32
      %dma_start3A_42 = tpu.memref_slice %arg2[%dma_start3A_40, %dma_start3A_41] : memref<20480x128xf32, #tpu.memory_space<hbm>> -> memref<20480x128xf32, #tpu.memory_space<hbm>>
      tpu.enqueue_indirect_dma source(%dma_start3A_42 : memref<20480x128xf32, #tpu.memory_space<hbm>>) target(%arg12 : memref<80x128xf32, #tpu.memory_space<vmem>>) offsets(%arg8 : memref<80xi32, #tpu.memory_space<vmem>>) semaphore(%arg14 : memref<!tpu.dma_semaphore, #tpu.memory_space<semaphore_mem>>)
      %dma_wait3A = arith.constant 0 : i32
      %dma_wait3A_43 = arith.constant 0 : i32
      %dma_wait3A_44 = tpu.memref_slice %arg2[%dma_wait3A, %dma_wait3A_43] : memref<20480x128xf32, #tpu.memory_space<hbm>> -> memref<20480x128xf32, #tpu.memory_space<hbm>>
      tpu.wait_indirect_dma semaphore(%arg13 : memref<!tpu.dma_semaphore, #tpu.memory_space<semaphore_mem>>) src(%dma_wait3A_44 : memref<20480x128xf32, #tpu.memory_space<hbm>>) dst(%arg11 : memref<80x128xf32, #tpu.memory_space<vmem>>)
      "tpu.region"() ({
        %run_scoped3A = tpu.sem_alloc : memref<!tpu.dma_semaphore, #tpu.memory_space<semaphore_mem>>
        %dma_start3A_52 = arith.constant 0 : i32
        %dma_start3A_53 = arith.constant 0 : i32
        %dma_start3A_54 = tpu.memref_slice %arg6[%dma_start3A_52, %dma_start3A_53] : memref<10240x128xf32, #tpu.memory_space<vmem_shared>> -> memref<10240x128xf32, #tpu.memory_space<vmem_shared>>
        tpu.enqueue_indirect_dma source(%arg11 : memref<80x128xf32, #tpu.memory_space<vmem>>) target(%dma_start3A_54 : memref<10240x128xf32, #tpu.memory_space<vmem_shared>>) offsets(%arg9 : memref<80xi32, #tpu.memory_space<vmem>>) semaphore(%run_scoped3A : memref<!tpu.dma_semaphore, #tpu.memory_space<semaphore_mem>>) {add = true}
        %dma_wait3A_55 = arith.constant 0 : i32
        %dma_wait3A_56 = arith.constant 0 : i32
        %dma_wait3A_57 = tpu.memref_slice %arg6[%dma_wait3A_55, %dma_wait3A_56] : memref<10240x128xf32, #tpu.memory_space<vmem_shared>> -> memref<10240x128xf32, #tpu.memory_space<vmem_shared>>
        tpu.wait_indirect_dma semaphore(%run_scoped3A : memref<!tpu.dma_semaphore, #tpu.memory_space<semaphore_mem>>) src(%arg11 : memref<80x128xf32, #tpu.memory_space<vmem>>) dst(%dma_wait3A_57 : memref<10240x128xf32, #tpu.memory_space<vmem_shared>>)
        tpu.yield
      }) : () -> ()
      %add3A_45 = arith.constant 2 : i32
      %add3A_46 = arith.addi %mul3A_31, %add3A_45 : i32
      %lt3A = arith.constant 250 : i32
      %lt3A_47 = arith.cmpi slt, %add3A_46, %lt3A : i32
      %convert_element_type3A = arith.extui %lt3A_47 : i1 to i32
      %cond3A = arith.constant 0 : i32
      %cond3A_48 = arith.cmpi ne, %convert_element_type3A, %cond3A : i32
      scf.if %cond3A_48 {
        %add3A_52 = arith.constant 2 : i32
        %add3A_53 = arith.addi %mul3A_31, %add3A_52 : i32
        %mul3A_54 = arith.constant 80 : i32
        %mul3A_55 = arith.muli %add3A_53, %mul3A_54 : i32
        %add3A_56 = arith.addi %add3A_9, %mul3A_55 : i32
        "tpu.region"() ({
          %run_scoped3A = tpu.sem_alloc : memref<!tpu.dma_semaphore, #tpu.memory_space<semaphore_mem>>
          %dma_start3A_63 = tpu.memref_slice %arg3[%add3A_56] : memref<640000xi32, #tpu.memory_space<hbm>> -> memref<80xi32, #tpu.memory_space<hbm>>
          %dma_start3A_64 = tpu.memref_slice %arg3[%add3A_56] : memref<640000xi32, #tpu.memory_space<hbm>> -> memref<80xi32, #tpu.memory_space<hbm>>
          tpu.enqueue_dma source(%dma_start3A_64 : memref<80xi32, #tpu.memory_space<hbm>>) target(%arg7 : memref<80xi32, #tpu.memory_space<vmem>>) target_semaphore(%run_scoped3A : memref<!tpu.dma_semaphore, #tpu.memory_space<semaphore_mem>>)
          %dma_wait3A_65 = tpu.memref_slice %arg3[%add3A_56] : memref<640000xi32, #tpu.memory_space<hbm>> -> memref<80xi32, #tpu.memory_space<hbm>>
          %dma_wait3A_66 = tpu.memref_slice %arg3[%add3A_56] : memref<640000xi32, #tpu.memory_space<hbm>> -> memref<80xi32, #tpu.memory_space<hbm>>
          tpu.wait_dma2 semaphore(%run_scoped3A : memref<!tpu.dma_semaphore, #tpu.memory_space<semaphore_mem>>) src(%dma_wait3A_66 : memref<80xi32, #tpu.memory_space<hbm>>) dst(%arg7 : memref<80xi32, #tpu.memory_space<vmem>>)
          tpu.yield
        }) : () -> ()
        %mul3A_57 = arith.constant 80 : i32
        %mul3A_58 = arith.muli %add3A_53, %mul3A_57 : i32
        %add3A_59 = arith.addi %mul3A_11, %mul3A_58 : i32
        "tpu.region"() ({
          %run_scoped3A = tpu.sem_alloc : memref<!tpu.dma_semaphore, #tpu.memory_space<semaphore_mem>>
          %dma_start3A_63 = tpu.memref_slice %arg4[%add3A_59] : memref<320000xi32, #tpu.memory_space<hbm>> -> memref<80xi32, #tpu.memory_space<hbm>>
          %dma_start3A_64 = tpu.memref_slice %arg4[%add3A_59] : memref<320000xi32, #tpu.memory_space<hbm>> -> memref<80xi32, #tpu.memory_space<hbm>>
          tpu.enqueue_dma source(%dma_start3A_64 : memref<80xi32, #tpu.memory_space<hbm>>) target(%arg9 : memref<80xi32, #tpu.memory_space<vmem>>) target_semaphore(%run_scoped3A : memref<!tpu.dma_semaphore, #tpu.memory_space<semaphore_mem>>)
          %dma_wait3A_65 = tpu.memref_slice %arg4[%add3A_59] : memref<320000xi32, #tpu.memory_space<hbm>> -> memref<80xi32, #tpu.memory_space<hbm>>
          %dma_wait3A_66 = tpu.memref_slice %arg4[%add3A_59] : memref<320000xi32, #tpu.memory_space<hbm>> -> memref<80xi32, #tpu.memory_space<hbm>>
          tpu.wait_dma2 semaphore(%run_scoped3A : memref<!tpu.dma_semaphore, #tpu.memory_space<semaphore_mem>>) src(%dma_wait3A_66 : memref<80xi32, #tpu.memory_space<hbm>>) dst(%arg9 : memref<80xi32, #tpu.memory_space<vmem>>)
          tpu.yield
        }) : () -> ()
        %dma_start3A_60 = arith.constant 0 : i32
        %dma_start3A_61 = arith.constant 0 : i32
        %dma_start3A_62 = tpu.memref_slice %arg2[%dma_start3A_60, %dma_start3A_61] : memref<20480x128xf32, #tpu.memory_space<hbm>> -> memref<20480x128xf32, #tpu.memory_space<hbm>>
        tpu.enqueue_indirect_dma source(%dma_start3A_62 : memref<20480x128xf32, #tpu.memory_space<hbm>>) target(%arg11 : memref<80x128xf32, #tpu.memory_space<vmem>>) offsets(%arg7 : memref<80xi32, #tpu.memory_space<vmem>>) semaphore(%arg13 : memref<!tpu.dma_semaphore, #tpu.memory_space<semaphore_mem>>)
      } else {
      }
      %dma_wait3A_49 = arith.constant 0 : i32
      %dma_wait3A_50 = arith.constant 0 : i32
      %dma_wait3A_51 = tpu.memref_slice %arg2[%dma_wait3A_49, %dma_wait3A_50] : memref<20480x128xf32, #tpu.memory_space<hbm>> -> memref<20480x128xf32, #tpu.memory_space<hbm>>
      tpu.wait_indirect_dma semaphore(%arg14 : memref<!tpu.dma_semaphore, #tpu.memory_space<semaphore_mem>>) src(%dma_wait3A_51 : memref<20480x128xf32, #tpu.memory_space<hbm>>) dst(%arg12 : memref<80x128xf32, #tpu.memory_space<vmem>>)
      "tpu.region"() ({
        %run_scoped3A = tpu.sem_alloc : memref<!tpu.dma_semaphore, #tpu.memory_space<semaphore_mem>>
        %dma_start3A_52 = arith.constant 0 : i32
        %dma_start3A_53 = arith.constant 0 : i32
        %dma_start3A_54 = tpu.memref_slice %arg6[%dma_start3A_52, %dma_start3A_53] : memref<10240x128xf32, #tpu.memory_space<vmem_shared>> -> memref<10240x128xf32, #tpu.memory_space<vmem_shared>>
        tpu.enqueue_indirect_dma source(%arg12 : memref<80x128xf32, #tpu.memory_space<vmem>>) target(%dma_start3A_54 : memref<10240x128xf32, #tpu.memory_space<vmem_shared>>) offsets(%arg10 : memref<80xi32, #tpu.memory_space<vmem>>) semaphore(%run_scoped3A : memref<!tpu.dma_semaphore, #tpu.memory_space<semaphore_mem>>) {add = true}
        %dma_wait3A_55 = arith.constant 0 : i32
        %dma_wait3A_56 = arith.constant 0 : i32
        %dma_wait3A_57 = tpu.memref_slice %arg6[%dma_wait3A_55, %dma_wait3A_56] : memref<10240x128xf32, #tpu.memory_space<vmem_shared>> -> memref<10240x128xf32, #tpu.memory_space<vmem_shared>>
        tpu.wait_indirect_dma semaphore(%run_scoped3A : memref<!tpu.dma_semaphore, #tpu.memory_space<semaphore_mem>>) src(%arg12 : memref<80x128xf32, #tpu.memory_space<vmem>>) dst(%dma_wait3A_57 : memref<10240x128xf32, #tpu.memory_space<vmem_shared>>)
        tpu.yield
      }) : () -> ()
    }
    %scan3A_22 = arith.constant 125 : i32
    %barrier3A_23 = arith.constant 0 : index
    tpu.barrier barrier_id(%barrier3A_23)
    %mul3A_24 = arith.constant 640 : i32
    %mul3A_25 = arith.muli %arg1, %mul3A_24 : i32
    %mul3A_26 = arith.constant 640 : i32
    %mul3A_27 = arith.muli %arg1, %mul3A_26 : i32
    %add3A_28 = arith.addi %mul3A_0, %mul3A_27 : i32
    "tpu.region"() ({
      %run_scoped3A = tpu.sem_alloc : memref<!tpu.dma_semaphore, #tpu.memory_space<semaphore_mem>>
      %dma_start3A_29 = arith.constant 0 : i32
      %dma_start3A_30 = tpu.memref_slice %arg5[%add3A_28, %dma_start3A_29] : memref<20480x128xf32, #tpu.memory_space<hbm>> -> memref<640x128xf32, #tpu.memory_space<hbm>>
      %dma_start3A_31 = arith.constant 0 : i32
      %dma_start3A_32 = tpu.memref_slice %arg6[%mul3A_25, %dma_start3A_31] : memref<10240x128xf32, #tpu.memory_space<vmem_shared>> -> memref<640x128xf32, #tpu.memory_space<vmem_shared>>
      tpu.enqueue_dma source(%dma_start3A_32 : memref<640x128xf32, #tpu.memory_space<vmem_shared>>) target(%dma_start3A_30 : memref<640x128xf32, #tpu.memory_space<hbm>>) target_semaphore(%run_scoped3A : memref<!tpu.dma_semaphore, #tpu.memory_space<semaphore_mem>>)
      %dma_wait3A = arith.constant 0 : i32
      %dma_wait3A_33 = tpu.memref_slice %arg5[%add3A_28, %dma_wait3A] : memref<20480x128xf32, #tpu.memory_space<hbm>> -> memref<640x128xf32, #tpu.memory_space<hbm>>
      %dma_wait3A_34 = arith.constant 0 : i32
      %dma_wait3A_35 = tpu.memref_slice %arg6[%mul3A_25, %dma_wait3A_34] : memref<10240x128xf32, #tpu.memory_space<vmem_shared>> -> memref<640x128xf32, #tpu.memory_space<vmem_shared>>
      tpu.wait_dma2 semaphore(%run_scoped3A : memref<!tpu.dma_semaphore, #tpu.memory_space<semaphore_mem>>) src(%dma_wait3A_35 : memref<640x128xf32, #tpu.memory_space<vmem_shared>>) dst(%dma_wait3A_33 : memref<640x128xf32, #tpu.memory_space<hbm>>)
      tpu.yield
    }) : () -> ()
    return
  }
}

module attributes {stable_mosaic.version = 14 : i64} {
  func.func @_h1_body(%arg0: i32, %arg1: memref<2x1024x128xf32, #tpu.memory_space<vmem>>, %arg2: memref<1024x128xf32, #tpu.memory_space<vmem>>, %arg3: memref<128x256xf32, #tpu.memory_space<vmem>>, %arg4: memref<2x1024x128xf32, #tpu.memory_space<vmem>>) attributes {dimension_semantics = [#tpu.dimension_semantics<arbitrary>], iteration_bounds = array<i64: 10>, scalar_prefetch = 0 : i64, scratch_operands = 0 : i64, tpu.core_type = #tpu.core_type<tc>, window_params = [{transform_indices = @transform_0, window_bounds = array<i64: 2, 1024, 128>}, {transform_indices = @transform_1, window_bounds = array<i64: 1024, 128>}, {pipeline_mode = #tpu.pipeline_mode<synchronous>, transform_indices = @transform_2, window_bounds = array<i64: 128, 256>}, {transform_indices = @transform_3, window_bounds = array<i64: 2, 1024, 128>}]} {
    %get3A = arith.constant 0 : index
    %get3A_0 = arith.constant 0 : index
    %get3A_1 = arith.constant 0 : index
    %get3A_2 = vector.load %arg1[%get3A, %get3A_0, %get3A_1] : memref<2x1024x128xf32, #tpu.memory_space<vmem>>, vector<1x1024x1xf32>
    %get3A_3 = vector.shape_cast %get3A_2 : vector<1x1024x1xf32> to vector<1024x1xf32>
    %get3A_4 = arith.constant 1 : index
    %get3A_5 = arith.constant 0 : index
    %get3A_6 = arith.constant 0 : index
    %get3A_7 = vector.load %arg1[%get3A_4, %get3A_5, %get3A_6] : memref<2x1024x128xf32, #tpu.memory_space<vmem>>, vector<1x1024x1xf32>
    %get3A_8 = vector.shape_cast %get3A_7 : vector<1x1024x1xf32> to vector<1024x1xf32>
    %add3A = arith.addf %get3A_3, %get3A_8 : vector<1024x1xf32>
    %add3A_9 = arith.constant 1.000000e+00 : f32
    %add3A_10 = vector.broadcast %add3A_9 : f32 to vector<1024x1xf32>
    %add3A_11 = arith.addf %add3A, %add3A_10 : vector<1024x1xf32>
    %rsqrt3A = math.rsqrt %add3A_11 : vector<1024x1xf32>
    %get3A_12 = arith.constant 0 : index
    %get3A_13 = arith.constant 0 : index
    %get3A_14 = vector.load %arg2[%get3A_12, %get3A_13] : memref<1024x128xf32, #tpu.memory_space<vmem>>, vector<1024x128xf32>
    %get3A_15 = arith.constant 0 : index
    %get3A_16 = arith.constant 0 : index
    %get3A_17 = vector.load %arg3[%get3A_15, %get3A_16] : memref<128x256xf32, #tpu.memory_space<vmem>>, vector<128x256xf32>
    %dot_general3A = arith.constant dense<0.000000e+00> : vector<1024x256xf32>
    %dot_general3A_18 = tpu.matmul %get3A_14, %get3A_17, %dot_general3A {dimension_numbers = #tpu.dot_dimension_numbers<[1], [0], [0], [1], [0, 0, 1, 1], [], []>, precision = #tpu.contract_precision<fp32>, transpose_lhs_hint = false} : vector<1024x128xf32>, vector<128x256xf32>, vector<1024x256xf32> -> vector<1024x256xf32>
    %mul3A = vector.broadcast %rsqrt3A : vector<1024x1xf32> to vector<1024x256xf32>
    %mul3A_19 = arith.mulf %dot_general3A_18, %mul3A : vector<1024x256xf32>
    %slice3A = vector.extract_strided_slice %mul3A_19 {offsets = [0, 0], sizes = [1024, 128], strides = [1, 1]} : vector<1024x256xf32> to vector<1024x128xf32>
    %swap3A = arith.constant 0 : index
    %swap3A_20 = arith.constant 0 : index
    %swap3A_21 = arith.constant 0 : index
    %swap3A_22 = vector.load %arg4[%swap3A, %swap3A_20, %swap3A_21] : memref<2x1024x128xf32, #tpu.memory_space<vmem>>, vector<1x1024x128xf32>
    %swap3A_23 = vector.shape_cast %swap3A_22 : vector<1x1024x128xf32> to vector<1024x128xf32>
    %swap3A_24 = vector.shape_cast %slice3A : vector<1024x128xf32> to vector<1x1024x128xf32>
    tpu.vector_store %arg4[%swap3A, %swap3A_20, %swap3A_21], %swap3A_24 {strides = array<i32>} : memref<2x1024x128xf32, #tpu.memory_space<vmem>>, vector<1x1024x128xf32>,
    %slice3A_25 = vector.extract_strided_slice %mul3A_19 {offsets = [0, 128], sizes = [1024, 128], strides = [1, 1]} : vector<1024x256xf32> to vector<1024x128xf32>
    %swap3A_26 = arith.constant 1 : index
    %swap3A_27 = arith.constant 0 : index
    %swap3A_28 = arith.constant 0 : index
    %swap3A_29 = vector.load %arg4[%swap3A_26, %swap3A_27, %swap3A_28] : memref<2x1024x128xf32, #tpu.memory_space<vmem>>, vector<1x1024x128xf32>
    %swap3A_30 = vector.shape_cast %swap3A_29 : vector<1x1024x128xf32> to vector<1024x128xf32>
    %swap3A_31 = vector.shape_cast %slice3A_25 : vector<1024x128xf32> to vector<1x1024x128xf32>
    tpu.vector_store %arg4[%swap3A_26, %swap3A_27, %swap3A_28], %swap3A_31 {strides = array<i32>} : memref<2x1024x128xf32, #tpu.memory_space<vmem>>, vector<1x1024x128xf32>,
    return
  }
  func.func @transform_0(%arg0: i32) -> (i32, i32, i32) {
    %c0_i32 = arith.constant 0 : i32
    %c0_i32_0 = arith.constant 0 : i32
    %c0_i32_1 = arith.constant 0 : i32
    return %c0_i32, %arg0, %c0_i32_0 : i32, i32, i32
  }
  func.func @transform_1(%arg0: i32) -> (i32, i32) {
    %c0_i32 = arith.constant 0 : i32
    %c0_i32_0 = arith.constant 0 : i32
    return %arg0, %c0_i32 : i32, i32
  }
  func.func @transform_2(%arg0: i32) -> (i32, i32) {
    %c0_i32 = arith.constant 0 : i32
    %c0_i32_0 = arith.constant 0 : i32
    %c0_i32_1 = arith.constant 0 : i32
    return %c0_i32, %c0_i32_0 : i32, i32
  }
  func.func @transform_3(%arg0: i32) -> (i32, i32, i32) {
    %c0_i32 = arith.constant 0 : i32
    %c0_i32_0 = arith.constant 0 : i32
    %c0_i32_1 = arith.constant 0 : i32
    return %c0_i32, %arg0, %c0_i32_0 : i32, i32, i32
  }
}

module attributes {stable_mosaic.version = 14 : i64} {
  func.func @_mid_body(%arg0: i32, %arg1: memref<2x1024x128xf32, #tpu.memory_space<vmem>>, %arg2: memref<2x1024x128xf32, #tpu.memory_space<vmem>>, %arg3: memref<1x256xf32, #tpu.memory_space<vmem>>, %arg4: memref<256x256xf32, #tpu.memory_space<vmem>>, %arg5: memref<2x1024x128xf32, #tpu.memory_space<vmem>>) attributes {dimension_semantics = [#tpu.dimension_semantics<arbitrary>], iteration_bounds = array<i64: 10>, scalar_prefetch = 0 : i64, scratch_operands = 0 : i64, tpu.core_type = #tpu.core_type<tc>, window_params = [{transform_indices = @transform_0, window_bounds = array<i64: 2, 1024, 128>}, {transform_indices = @transform_1, window_bounds = array<i64: 2, 1024, 128>}, {pipeline_mode = #tpu.pipeline_mode<synchronous>, transform_indices = @transform_2, window_bounds = array<i64: 1, 256>}, {pipeline_mode = #tpu.pipeline_mode<synchronous>, transform_indices = @transform_3, window_bounds = array<i64: 256, 256>}, {transform_indices = @transform_4, window_bounds = array<i64: 2, 1024, 128>}]} {
    %get3A = arith.constant 0 : index
    %get3A_0 = arith.constant 0 : index
    %get3A_1 = arith.constant 0 : index
    %get3A_2 = vector.load %arg1[%get3A, %get3A_0, %get3A_1] : memref<2x1024x128xf32, #tpu.memory_space<vmem>>, vector<1x1024x1xf32>
    %get3A_3 = vector.shape_cast %get3A_2 : vector<1x1024x1xf32> to vector<1024x1xf32>
    %get3A_4 = arith.constant 1 : index
    %get3A_5 = arith.constant 0 : index
    %get3A_6 = arith.constant 0 : index
    %get3A_7 = vector.load %arg1[%get3A_4, %get3A_5, %get3A_6] : memref<2x1024x128xf32, #tpu.memory_space<vmem>>, vector<1x1024x1xf32>
    %get3A_8 = vector.shape_cast %get3A_7 : vector<1x1024x1xf32> to vector<1024x1xf32>
    %add3A = arith.addf %get3A_3, %get3A_8 : vector<1024x1xf32>
    %add3A_9 = arith.constant 1.000000e+00 : f32
    %add3A_10 = vector.broadcast %add3A_9 : f32 to vector<1024x1xf32>
    %add3A_11 = arith.addf %add3A, %add3A_10 : vector<1024x1xf32>
    %rsqrt3A = math.rsqrt %add3A_11 : vector<1024x1xf32>
    %get3A_12 = arith.constant 0 : index
    %get3A_13 = arith.constant 0 : index
    %get3A_14 = arith.constant 0 : index
    %get3A_15 = vector.load %arg2[%get3A_12, %get3A_13, %get3A_14] : memref<2x1024x128xf32, #tpu.memory_space<vmem>>, vector<1x1024x128xf32>
    %get3A_16 = vector.shape_cast %get3A_15 : vector<1x1024x128xf32> to vector<1024x128xf32>
    %get3A_17 = arith.constant 1 : index
    %get3A_18 = arith.constant 0 : index
    %get3A_19 = arith.constant 0 : index
    %get3A_20 = vector.load %arg2[%get3A_17, %get3A_18, %get3A_19] : memref<2x1024x128xf32, #tpu.memory_space<vmem>>, vector<1x1024x128xf32>
    %get3A_21 = vector.shape_cast %get3A_20 : vector<1x1024x128xf32> to vector<1024x128xf32>
    %concatenate3A = tpu.concatenate %get3A_16, %get3A_21 in 1 : vector<1024x128xf32>, vector<1024x128xf32> -> vector<1024x256xf32>
    %mul3A = vector.broadcast %rsqrt3A : vector<1024x1xf32> to vector<1024x256xf32>
    %mul3A_22 = arith.mulf %mul3A, %concatenate3A : vector<1024x256xf32>
    %get3A_23 = arith.constant 0 : index
    %get3A_24 = arith.constant 0 : index
    %get3A_25 = vector.load %arg3[%get3A_23, %get3A_24] : memref<1x256xf32, #tpu.memory_space<vmem>>, vector<1x256xf32>
    %add3A_26 = vector.broadcast %get3A_25 : vector<1x256xf32> to vector<1024x256xf32>
    %add3A_27 = arith.addf %mul3A_22, %add3A_26 : vector<1024x256xf32>
    %max3A = arith.constant 0.000000e+00 : f32
    %max3A_28 = vector.broadcast %max3A : f32 to vector<1024x256xf32>
    %max3A_29 = arith.maximumf %add3A_27, %max3A_28 : vector<1024x256xf32>
    %get3A_30 = arith.constant 0 : index
    %get3A_31 = arith.constant 0 : index
    %get3A_32 = vector.load %arg4[%get3A_30, %get3A_31] : memref<256x256xf32, #tpu.memory_space<vmem>>, vector<256x256xf32>
    %dot_general3A = arith.constant dense<0.000000e+00> : vector<1024x256xf32>
    %dot_general3A_33 = tpu.matmul %max3A_29, %get3A_32, %dot_general3A {dimension_numbers = #tpu.dot_dimension_numbers<[1], [0], [0], [1], [0, 0, 1, 1], [], []>, precision = #tpu.contract_precision<fp32>, transpose_lhs_hint = false} : vector<1024x256xf32>, vector<256x256xf32>, vector<1024x256xf32> -> vector<1024x256xf32>
    %mul3A_34 = vector.broadcast %rsqrt3A : vector<1024x1xf32> to vector<1024x256xf32>
    %mul3A_35 = arith.mulf %dot_general3A_33, %mul3A_34 : vector<1024x256xf32>
    %slice3A = vector.extract_strided_slice %mul3A_35 {offsets = [0, 0], sizes = [1024, 128], strides = [1, 1]} : vector<1024x256xf32> to vector<1024x128xf32>
    %swap3A = arith.constant 0 : index
    %swap3A_36 = arith.constant 0 : index
    %swap3A_37 = arith.constant 0 : index
    %swap3A_38 = vector.load %arg5[%swap3A, %swap3A_36, %swap3A_37] : memref<2x1024x128xf32, #tpu.memory_space<vmem>>, vector<1x1024x128xf32>
    %swap3A_39 = vector.shape_cast %swap3A_38 : vector<1x1024x128xf32> to vector<1024x128xf32>
    %swap3A_40 = vector.shape_cast %slice3A : vector<1024x128xf32> to vector<1x1024x128xf32>
    tpu.vector_store %arg5[%swap3A, %swap3A_36, %swap3A_37], %swap3A_40 {strides = array<i32>} : memref<2x1024x128xf32, #tpu.memory_space<vmem>>, vector<1x1024x128xf32>,
    %slice3A_41 = vector.extract_strided_slice %mul3A_35 {offsets = [0, 128], sizes = [1024, 128], strides = [1, 1]} : vector<1024x256xf32> to vector<1024x128xf32>
    %swap3A_42 = arith.constant 1 : index
    %swap3A_43 = arith.constant 0 : index
    %swap3A_44 = arith.constant 0 : index
    %swap3A_45 = vector.load %arg5[%swap3A_42, %swap3A_43, %swap3A_44] : memref<2x1024x128xf32, #tpu.memory_space<vmem>>, vector<1x1024x128xf32>
    %swap3A_46 = vector.shape_cast %swap3A_45 : vector<1x1024x128xf32> to vector<1024x128xf32>
    %swap3A_47 = vector.shape_cast %slice3A_41 : vector<1024x128xf32> to vector<1x1024x128xf32>
    tpu.vector_store %arg5[%swap3A_42, %swap3A_43, %swap3A_44], %swap3A_47 {strides = array<i32>} : memref<2x1024x128xf32, #tpu.memory_space<vmem>>, vector<1x1024x128xf32>,
    return
  }
  func.func @transform_0(%arg0: i32) -> (i32, i32, i32) {
    %c0_i32 = arith.constant 0 : i32
    %c0_i32_0 = arith.constant 0 : i32
    %c0_i32_1 = arith.constant 0 : i32
    return %c0_i32, %arg0, %c0_i32_0 : i32, i32, i32
  }
  func.func @transform_1(%arg0: i32) -> (i32, i32, i32) {
    %c0_i32 = arith.constant 0 : i32
    %c0_i32_0 = arith.constant 0 : i32
    %c0_i32_1 = arith.constant 0 : i32
    return %c0_i32, %arg0, %c0_i32_0 : i32, i32, i32
  }
  func.func @transform_2(%arg0: i32) -> (i32, i32) {
    %c0_i32 = arith.constant 0 : i32
    %c0_i32_0 = arith.constant 0 : i32
    %c0_i32_1 = arith.constant 0 : i32
    return %c0_i32, %c0_i32_0 : i32, i32
  }
  func.func @transform_3(%arg0: i32) -> (i32, i32) {
    %c0_i32 = arith.constant 0 : i32
    %c0_i32_0 = arith.constant 0 : i32
    %c0_i32_1 = arith.constant 0 : i32
    return %c0_i32, %c0_i32_0 : i32, i32
  }
  func.func @transform_4(%arg0: i32) -> (i32, i32, i32) {
    %c0_i32 = arith.constant 0 : i32
    %c0_i32_0 = arith.constant 0 : i32
    %c0_i32_1 = arith.constant 0 : i32
    return %c0_i32, %arg0, %c0_i32_0 : i32, i32, i32
  }
}

module attributes {stable_mosaic.version = 14 : i64} {
  func.func @_fin_body(%arg0: i32, %arg1: memref<2x1024x128xf32, #tpu.memory_space<vmem>>, %arg2: memref<2x1024x128xf32, #tpu.memory_space<vmem>>, %arg3: memref<1x256xf32, #tpu.memory_space<vmem>>, %arg4: memref<1024x256xf32, #tpu.memory_space<vmem>>) attributes {dimension_semantics = [#tpu.dimension_semantics<arbitrary>], iteration_bounds = array<i64: 10>, scalar_prefetch = 0 : i64, scratch_operands = 0 : i64, tpu.core_type = #tpu.core_type<tc>, window_params = [{transform_indices = @transform_0, window_bounds = array<i64: 2, 1024, 128>}, {transform_indices = @transform_1, window_bounds = array<i64: 2, 1024, 128>}, {pipeline_mode = #tpu.pipeline_mode<synchronous>, transform_indices = @transform_2, window_bounds = array<i64: 1, 256>}, {transform_indices = @transform_3, window_bounds = array<i64: 1024, 256>}]} {
    %get3A = arith.constant 0 : index
    %get3A_0 = arith.constant 0 : index
    %get3A_1 = arith.constant 0 : index
    %get3A_2 = vector.load %arg1[%get3A, %get3A_0, %get3A_1] : memref<2x1024x128xf32, #tpu.memory_space<vmem>>, vector<1x1024x1xf32>
    %get3A_3 = vector.shape_cast %get3A_2 : vector<1x1024x1xf32> to vector<1024x1xf32>
    %get3A_4 = arith.constant 1 : index
    %get3A_5 = arith.constant 0 : index
    %get3A_6 = arith.constant 0 : index
    %get3A_7 = vector.load %arg1[%get3A_4, %get3A_5, %get3A_6] : memref<2x1024x128xf32, #tpu.memory_space<vmem>>, vector<1x1024x1xf32>
    %get3A_8 = vector.shape_cast %get3A_7 : vector<1x1024x1xf32> to vector<1024x1xf32>
    %add3A = arith.addf %get3A_3, %get3A_8 : vector<1024x1xf32>
    %add3A_9 = arith.constant 1.000000e+00 : f32
    %add3A_10 = vector.broadcast %add3A_9 : f32 to vector<1024x1xf32>
    %add3A_11 = arith.addf %add3A, %add3A_10 : vector<1024x1xf32>
    %rsqrt3A = math.rsqrt %add3A_11 : vector<1024x1xf32>
    %get3A_12 = arith.constant 0 : index
    %get3A_13 = arith.constant 0 : index
    %get3A_14 = arith.constant 0 : index
    %get3A_15 = vector.load %arg2[%get3A_12, %get3A_13, %get3A_14] : memref<2x1024x128xf32, #tpu.memory_space<vmem>>, vector<1x1024x128xf32>
    %get3A_16 = vector.shape_cast %get3A_15 : vector<1x1024x128xf32> to vector<1024x128xf32>
    %get3A_17 = arith.constant 1 : index
    %get3A_18 = arith.constant 0 : index
    %get3A_19 = arith.constant 0 : index
    %get3A_20 = vector.load %arg2[%get3A_17, %get3A_18, %get3A_19] : memref<2x1024x128xf32, #tpu.memory_space<vmem>>, vector<1x1024x128xf32>
    %get3A_21 = vector.shape_cast %get3A_20 : vector<1x1024x128xf32> to vector<1024x128xf32>
    %concatenate3A = tpu.concatenate %get3A_16, %get3A_21 in 1 : vector<1024x128xf32>, vector<1024x128xf32> -> vector<1024x256xf32>
    %mul3A = vector.broadcast %rsqrt3A : vector<1024x1xf32> to vector<1024x256xf32>
    %mul3A_22 = arith.mulf %mul3A, %concatenate3A : vector<1024x256xf32>
    %get3A_23 = arith.constant 0 : index
    %get3A_24 = arith.constant 0 : index
    %get3A_25 = vector.load %arg3[%get3A_23, %get3A_24] : memref<1x256xf32, #tpu.memory_space<vmem>>, vector<1x256xf32>
    %add3A_26 = vector.broadcast %get3A_25 : vector<1x256xf32> to vector<1024x256xf32>
    %add3A_27 = arith.addf %mul3A_22, %add3A_26 : vector<1024x256xf32>
    %swap3A = arith.constant 0 : index
    %swap3A_28 = arith.constant 0 : index
    %swap3A_29 = vector.load %arg4[%swap3A, %swap3A_28] : memref<1024x256xf32, #tpu.memory_space<vmem>>, vector<1024x256xf32>
    tpu.vector_store %arg4[%swap3A, %swap3A_28], %add3A_27 {strides = array<i32>} : memref<1024x256xf32, #tpu.memory_space<vmem>>, vector<1024x256xf32>,
    return
  }
  func.func @transform_0(%arg0: i32) -> (i32, i32, i32) {
    %c0_i32 = arith.constant 0 : i32
    %c0_i32_0 = arith.constant 0 : i32
    %c0_i32_1 = arith.constant 0 : i32
    return %c0_i32, %arg0, %c0_i32_0 : i32, i32, i32
  }
  func.func @transform_1(%arg0: i32) -> (i32, i32, i32) {
    %c0_i32 = arith.constant 0 : i32
    %c0_i32_0 = arith.constant 0 : i32
    %c0_i32_1 = arith.constant 0 : i32
    return %c0_i32, %arg0, %c0_i32_0 : i32, i32, i32
  }
  func.func @transform_2(%arg0: i32) -> (i32, i32) {
    %c0_i32 = arith.constant 0 : i32
    %c0_i32_0 = arith.constant 0 : i32
    %c0_i32_1 = arith.constant 0 : i32
    return %c0_i32, %c0_i32_0 : i32, i32
  }
  func.func @transform_3(%arg0: i32) -> (i32, i32) {
    %c0_i32 = arith.constant 0 : i32
    %c0_i32_0 = arith.constant 0 : i32
    return %arg0, %c0_i32 : i32, i32
  }
}

module attributes {stable_mosaic.version = 14 : i64} {
  func.func @_mlp_body(%arg0: i32, %arg1: memref<512x512xf32, #tpu.memory_space<vmem>>, %arg2: memref<512x256xf32, #tpu.memory_space<vmem>>, %arg3: memref<512x2560xf32, #tpu.memory_space<vmem>>, %arg4: memref<512x3072xf32, #tpu.memory_space<vmem>>, %arg5: memref<512x128xf32, #tpu.memory_space<vmem>>, %arg6: memref<256x128xf32, #tpu.memory_space<vmem>>, %arg7: memref<2560x128xf32, #tpu.memory_space<vmem>>, %arg8: memref<3072x128xf32, #tpu.memory_space<vmem>>, %arg9: memref<1x128xf32, #tpu.memory_space<vmem>>, %arg10: memref<128x128xf32, #tpu.memory_space<vmem>>, %arg11: memref<1x128xf32, #tpu.memory_space<vmem>>, %arg12: memref<128x128xf32, #tpu.memory_space<vmem>>, %arg13: memref<1x128xf32, #tpu.memory_space<vmem>>, %arg14: memref<512x128xf32, #tpu.memory_space<vmem>>) attributes {dimension_semantics = [#tpu.dimension_semantics<arbitrary>], iteration_bounds = array<i64: 8>, scalar_prefetch = 0 : i64, scratch_operands = 0 : i64, tpu.core_type = #tpu.core_type<tc>, window_params = [{transform_indices = @transform_0, window_bounds = array<i64: 512, 512>}, {transform_indices = @transform_1, window_bounds = array<i64: 512, 256>}, {transform_indices = @transform_2, window_bounds = array<i64: 512, 2560>}, {transform_indices = @transform_3, window_bounds = array<i64: 512, 3072>}, {pipeline_mode = #tpu.pipeline_mode<synchronous>, transform_indices = @transform_4, window_bounds = array<i64: 512, 128>}, {pipeline_mode = #tpu.pipeline_mode<synchronous>, transform_indices = @transform_5, window_bounds = array<i64: 256, 128>}, {pipeline_mode = #tpu.pipeline_mode<synchronous>, transform_indices = @transform_6, window_bounds = array<i64: 2560, 128>}, {pipeline_mode = #tpu.pipeline_mode<synchronous>, transform_indices = @transform_7, window_bounds = array<i64: 3072, 128>}, {pipeline_mode = #tpu.pipeline_mode<synchronous>, transform_indices = @transform_8, window_bounds = array<i64: 1, 128>}, {pipeline_mode = #tpu.pipeline_mode<synchronous>, transform_indices = @transform_9, window_bounds = array<i64: 128, 128>}, {pipeline_mode = #tpu.pipeline_mode<synchronous>, transform_indices = @transform_10, window_bounds = array<i64: 1, 128>}, {pipeline_mode = #tpu.pipeline_mode<synchronous>, transform_indices = @transform_11, window_bounds = array<i64: 128, 128>}, {pipeline_mode = #tpu.pipeline_mode<synchronous>, transform_indices = @transform_12, window_bounds = array<i64: 1, 128>}, {transform_indices = @transform_13, window_bounds = array<i64: 512, 128>}]} {
    %get3A = arith.constant 0 : index
    %get3A_0 = arith.constant 0 : index
    %get3A_1 = vector.load %arg1[%get3A, %get3A_0] : memref<512x512xf32, #tpu.memory_space<vmem>>, vector<512x512xf32>
    %get3A_2 = arith.constant 0 : index
    %get3A_3 = arith.constant 0 : index
    %get3A_4 = vector.load %arg5[%get3A_2, %get3A_3] : memref<512x128xf32, #tpu.memory_space<vmem>>, vector<512x128xf32>
    %dot_general3A = arith.constant dense<0.000000e+00> : vector<512x128xf32>
    %dot_general3A_5 = tpu.matmul %get3A_1, %get3A_4, %dot_general3A {dimension_numbers = #tpu.dot_dimension_numbers<[1], [0], [0], [1], [0, 0, 1, 1], [], []>, precision = #tpu.contract_precision<fp32>, transpose_lhs_hint = false} : vector<512x512xf32>, vector<512x128xf32>, vector<512x128xf32> -> vector<512x128xf32>
    %get3A_6 = arith.constant 0 : index
    %get3A_7 = arith.constant 0 : index
    %get3A_8 = vector.load %arg2[%get3A_6, %get3A_7] : memref<512x256xf32, #tpu.memory_space<vmem>>, vector<512x256xf32>
    %get3A_9 = arith.constant 0 : index
    %get3A_10 = arith.constant 0 : index
    %get3A_11 = vector.load %arg6[%get3A_9, %get3A_10] : memref<256x128xf32, #tpu.memory_space<vmem>>, vector<256x128xf32>
    %dot_general3A_12 = arith.constant dense<0.000000e+00> : vector<512x128xf32>
    %dot_general3A_13 = tpu.matmul %get3A_8, %get3A_11, %dot_general3A_12 {dimension_numbers = #tpu.dot_dimension_numbers<[1], [0], [0], [1], [0, 0, 1, 1], [], []>, precision = #tpu.contract_precision<fp32>, transpose_lhs_hint = false} : vector<512x256xf32>, vector<256x128xf32>, vector<512x128xf32> -> vector<512x128xf32>
    %add3A = arith.addf %dot_general3A_5, %dot_general3A_13 : vector<512x128xf32>
    %get3A_14 = arith.constant 0 : index
    %get3A_15 = arith.constant 0 : index
    %get3A_16 = vector.load %arg3[%get3A_14, %get3A_15] : memref<512x2560xf32, #tpu.memory_space<vmem>>, vector<512x2560xf32>
    %get3A_17 = arith.constant 0 : index
    %get3A_18 = arith.constant 0 : index
    %get3A_19 = vector.load %arg7[%get3A_17, %get3A_18] : memref<2560x128xf32, #tpu.memory_space<vmem>>, vector<2560x128xf32>
    %dot_general3A_20 = arith.constant dense<0.000000e+00> : vector<512x128xf32>
    %dot_general3A_21 = tpu.matmul %get3A_16, %get3A_19, %dot_general3A_20 {dimension_numbers = #tpu.dot_dimension_numbers<[1], [0], [0], [1], [0, 0, 1, 1], [], []>, precision = #tpu.contract_precision<fp32>, transpose_lhs_hint = false} : vector<512x2560xf32>, vector<2560x128xf32>, vector<512x128xf32> -> vector<512x128xf32>
    %add3A_22 = arith.addf %add3A, %dot_general3A_21 : vector<512x128xf32>
    %get3A_23 = arith.constant 0 : index
    %get3A_24 = arith.constant 0 : index
    %get3A_25 = vector.load %arg4[%get3A_23, %get3A_24] : memref<512x3072xf32, #tpu.memory_space<vmem>>, vector<512x3072xf32>
    %get3A_26 = arith.constant 0 : index
    %get3A_27 = arith.constant 0 : index
    %get3A_28 = vector.load %arg8[%get3A_26, %get3A_27] : memref<3072x128xf32, #tpu.memory_space<vmem>>, vector<3072x128xf32>
    %dot_general3A_29 = arith.constant dense<0.000000e+00> : vector<512x128xf32>
    %dot_general3A_30 = tpu.matmul %get3A_25, %get3A_28, %dot_general3A_29 {dimension_numbers = #tpu.dot_dimension_numbers<[1], [0], [0], [1], [0, 0, 1, 1], [], []>, precision = #tpu.contract_precision<fp32>, transpose_lhs_hint = false} : vector<512x3072xf32>, vector<3072x128xf32>, vector<512x128xf32> -> vector<512x128xf32>
    %add3A_31 = arith.addf %add3A_22, %dot_general3A_30 : vector<512x128xf32>
    %get3A_32 = arith.constant 0 : index
    %get3A_33 = arith.constant 0 : index
    %get3A_34 = vector.load %arg9[%get3A_32, %get3A_33] : memref<1x128xf32, #tpu.memory_space<vmem>>, vector<1x128xf32>
    %add3A_35 = vector.broadcast %get3A_34 : vector<1x128xf32> to vector<512x128xf32>
    %add3A_36 = arith.addf %add3A_31, %add3A_35 : vector<512x128xf32>
    %max3A = arith.constant 0.000000e+00 : f32
    %max3A_37 = vector.broadcast %max3A : f32 to vector<512x128xf32>
    %max3A_38 = arith.maximumf %add3A_36, %max3A_37 : vector<512x128xf32>
    %get3A_39 = arith.constant 0 : index
    %get3A_40 = arith.constant 0 : index
    %get3A_41 = vector.load %arg10[%get3A_39, %get3A_40] : memref<128x128xf32, #tpu.memory_space<vmem>>, vector<128x128xf32>
    %dot_general3A_42 = arith.constant dense<0.000000e+00> : vector<512x128xf32>
    %dot_general3A_43 = tpu.matmul %max3A_38, %get3A_41, %dot_general3A_42 {dimension_numbers = #tpu.dot_dimension_numbers<[1], [0], [0], [1], [0, 0, 1, 1], [], []>, precision = #tpu.contract_precision<fp32>, transpose_lhs_hint = false} : vector<512x128xf32>, vector<128x128xf32>, vector<512x128xf32> -> vector<512x128xf32>
    %get3A_44 = arith.constant 0 : index
    %get3A_45 = arith.constant 0 : index
    %get3A_46 = vector.load %arg11[%get3A_44, %get3A_45] : memref<1x128xf32, #tpu.memory_space<vmem>>, vector<1x128xf32>
    %add3A_47 = vector.broadcast %get3A_46 : vector<1x128xf32> to vector<512x128xf32>
    %add3A_48 = arith.addf %dot_general3A_43, %add3A_47 : vector<512x128xf32>
    %max3A_49 = arith.constant 0.000000e+00 : f32
    %max3A_50 = vector.broadcast %max3A_49 : f32 to vector<512x128xf32>
    %max3A_51 = arith.maximumf %add3A_48, %max3A_50 : vector<512x128xf32>
    %get3A_52 = arith.constant 0 : index
    %get3A_53 = arith.constant 0 : index
    %get3A_54 = vector.load %arg12[%get3A_52, %get3A_53] : memref<128x128xf32, #tpu.memory_space<vmem>>, vector<128x128xf32>
    %dot_general3A_55 = arith.constant dense<0.000000e+00> : vector<512x128xf32>
    %dot_general3A_56 = tpu.matmul %max3A_51, %get3A_54, %dot_general3A_55 {dimension_numbers = #tpu.dot_dimension_numbers<[1], [0], [0], [1], [0, 0, 1, 1], [], []>, precision = #tpu.contract_precision<fp32>, transpose_lhs_hint = false} : vector<512x128xf32>, vector<128x128xf32>, vector<512x128xf32> -> vector<512x128xf32>
    %get3A_57 = arith.constant 0 : index
    %get3A_58 = arith.constant 0 : index
    %get3A_59 = vector.load %arg13[%get3A_57, %get3A_58] : memref<1x128xf32, #tpu.memory_space<vmem>>, vector<1x128xf32>
    %add3A_60 = vector.broadcast %get3A_59 : vector<1x128xf32> to vector<512x128xf32>
    %add3A_61 = arith.addf %dot_general3A_56, %add3A_60 : vector<512x128xf32>
    %swap3A = arith.constant 0 : index
    %swap3A_62 = arith.constant 0 : index
    %swap3A_63 = vector.load %arg14[%swap3A, %swap3A_62] : memref<512x128xf32, #tpu.memory_space<vmem>>, vector<512x128xf32>
    tpu.vector_store %arg14[%swap3A, %swap3A_62], %add3A_61 {strides = array<i32>} : memref<512x128xf32, #tpu.memory_space<vmem>>, vector<512x128xf32>,
    return
  }
  func.func @transform_0(%arg0: i32) -> (i32, i32) {
    %c0_i32 = arith.constant 0 : i32
    %c0_i32_0 = arith.constant 0 : i32
    return %arg0, %c0_i32 : i32, i32
  }
  func.func @transform_1(%arg0: i32) -> (i32, i32) {
    %c0_i32 = arith.constant 0 : i32
    %c0_i32_0 = arith.constant 0 : i32
    return %arg0, %c0_i32 : i32, i32
  }
  func.func @transform_2(%arg0: i32) -> (i32, i32) {
    %c0_i32 = arith.constant 0 : i32
    %c0_i32_0 = arith.constant 0 : i32
    return %arg0, %c0_i32 : i32, i32
  }
  func.func @transform_3(%arg0: i32) -> (i32, i32) {
    %c0_i32 = arith.constant 0 : i32
    %c0_i32_0 = arith.constant 0 : i32
    return %arg0, %c0_i32 : i32, i32
  }
  func.func @transform_4(%arg0: i32) -> (i32, i32) {
    %c0_i32 = arith.constant 0 : i32
    %c0_i32_0 = arith.constant 0 : i32
    %c0_i32_1 = arith.constant 0 : i32
    return %c0_i32, %c0_i32_0 : i32, i32
  }
  func.func @transform_5(%arg0: i32) -> (i32, i32) {
    %c0_i32 = arith.constant 0 : i32
    %c0_i32_0 = arith.constant 0 : i32
    %c0_i32_1 = arith.constant 0 : i32
    return %c0_i32, %c0_i32_0 : i32, i32
  }
  func.func @transform_6(%arg0: i32) -> (i32, i32) {
    %c0_i32 = arith.constant 0 : i32
    %c0_i32_0 = arith.constant 0 : i32
    %c0_i32_1 = arith.constant 0 : i32
    return %c0_i32, %c0_i32_0 : i32, i32
  }
  func.func @transform_7(%arg0: i32) -> (i32, i32) {
    %c0_i32 = arith.constant 0 : i32
    %c0_i32_0 = arith.constant 0 : i32
    %c0_i32_1 = arith.constant 0 : i32
    return %c0_i32, %c0_i32_0 : i32, i32
  }
  func.func @transform_8(%arg0: i32) -> (i32, i32) {
    %c0_i32 = arith.constant 0 : i32
    %c0_i32_0 = arith.constant 0 : i32
    %c0_i32_1 = arith.constant 0 : i32
    return %c0_i32, %c0_i32_0 : i32, i32
  }
  func.func @transform_9(%arg0: i32) -> (i32, i32) {
    %c0_i32 = arith.constant 0 : i32
    %c0_i32_0 = arith.constant 0 : i32
    %c0_i32_1 = arith.constant 0 : i32
    return %c0_i32, %c0_i32_0 : i32, i32
  }
  func.func @transform_10(%arg0: i32) -> (i32, i32) {
    %c0_i32 = arith.constant 0 : i32
    %c0_i32_0 = arith.constant 0 : i32
    %c0_i32_1 = arith.constant 0 : i32
    return %c0_i32, %c0_i32_0 : i32, i32
  }
  func.func @transform_11(%arg0: i32) -> (i32, i32) {
    %c0_i32 = arith.constant 0 : i32
    %c0_i32_0 = arith.constant 0 : i32
    %c0_i32_1 = arith.constant 0 : i32
    return %c0_i32, %c0_i32_0 : i32, i32
  }
  func.func @transform_12(%arg0: i32) -> (i32, i32) {
    %c0_i32 = arith.constant 0 : i32
    %c0_i32_0 = arith.constant 0 : i32
    %c0_i32_1 = arith.constant 0 : i32
    return %c0_i32, %c0_i32_0 : i32, i32
  }
  func.func @transform_13(%arg0: i32) -> (i32, i32) {
    %c0_i32 = arith.constant 0 : i32
    %c0_i32_0 = arith.constant 0 : i32
    return %arg0, %c0_i32 : i32, i32
  }
}

</mosaic_0001>

<sc_bundles>
// kernel: kernel.10.cloned.1.call-start
scs
__scs_entry_jumppad:
0x0: {  	(pc) =	sbr.rel $0x88, $3  }
0x1: {  	(tag) =	ssettag $0x0;
	lr =	simm.s32 $0x1  }
0x2: {  	[smem:$0x3F91] =	sst lr;
	_ =	strace $0xD0000000  }
0x3: {  	_ = 	snop  }
0x4: {  	_ = 	snop  }
0x5: {  	_ = 	snop  }
0x6: {  	_ = 	snop  }
0x7: {  	_ = 	snop  }
__scs_overlays_trampoline_lowered:
0x8: {  	[smem:$0x3FA0] =	sst s0  }
0x9: {  	[smem:$0x3FA1] =	sst s1  }
0xa: {  	[smem:$0x3FA2] =	sst s2  }
0xb: {  	[smem:$0x3FA3] =	sst s3  }
0xc: {  	[smem:$0x3FA4] =	sst s4  }
0xd: {  	[smem:$0x3FA5] =	sst s5  }
0xe: {  	[smem:$0x3FA6] =	sst s6  }
0xf: {  	[smem:$0x3FA7] =	sst s7  }
0x10: {  	[smem:$0x3FA8] =	sst s8  }
0x11: {  	[smem:$0x3FA9] =	sst s9;
	s0 =	simm.s32 @!p0 $0x0  }
0x12: {  	s1 =	sld [smem:$0x3F8F];
	s0 =	simm.s32 @p0 $0x1  }
0x13: {  	[smem:$0x3FAA] =	sst s0;
	s0 =	simm.s32 @!p1 $0x0  }
0x14: {  	s2 =	sld [smem:$0x3F8E];
	s0 =	simm.s32 @p1 $0x1  }
0x15: {  	[smem:$0x3FAB] =	sst s0;
	s0 =	simm.s32 @!p2 $0x0  }
0x16: {  	s3 =	sld [smem:$0x3FDB];
	s0 =	simm.s32 @p2 $0x1  }
0x17: {  	s4 =	simm.s32 $0x1BF5;
	[smem:$0x3FAD] =	sst s0  }
0x18: {  	s0 =	sld [smem:$0x3F90];
	_ =	swait.ge [sflag:s4], $0x0  }
0x19: {  	s7 =	sld [smem:$0x3F91]  }
0x1a: {  	s8 =	sadd.s32 $0xFFFFE003, lr  }
0x1b: {  	s9 =	sadd.s32 $0xFFFFFEF7, lr;
	s5 =	simm.s32 $0xFFFFFFFF;
	p2 =	slt.u32 s8, $0xFFFFF086  }
0x1c: {  	p1 =	slt.u32 s9, $0xF7A;
	s5 =	simm.s32 @!p2 $0x0  }
0x1d: {  	s5 =	simm.s32 @p1 $0x1;
	p0 =	seq.s32 s7, s2  }
0x1e: {  	s7 =	smul.u32 @!p0 $0xF7A, s2;
	p2 =	seq.s32 @!p0 s5, $0x0  }
0x1f: {  	s9 =	smul.u32 $0xF7A, s1;
	s8 =	simm.s32 @!p0 $0x1BF5;
	p2 =	por !p2, p0  }
0x20: {  	[sflag:s8] =	ssyncset.s32 @!p0 $0xFFFFF086;
	s6 =	sadd.s32 @!p0 s3, s7;
	s7 =	simm.s32 @!p0 $0x108  }
0x21: {  	s3 =	sadd.s32 s3, s9;
	s6 =	sadd.s32 @!p0 $0x88, s6;
	s7 =	simm.s32 @p2 $0x1082  }
0x22: {  	[simem:s7], [sflag:s8] =	dma.local @!p0 [hbm:s6], $0xF7A  }
0x23: {  	s9 =	sor.u32 $0xD0000000, s2;
	s6 =	simm.s32 $0x108;
	_ =	swait.ge @!p0 [sflag:s8], $0x0  }
0x24: {  	s3 =	sadd.s32 $0x88, s3;
	s6 =	simm.s32 @!p1 $0x1082;
	[sflag:s4] =	ssyncset.s32 $0xFFFFF086  }
0x25: {  	[simem:s6], [sflag:s4] =	dma.local [hbm:s3], $0xF7A  }
0x26: {  	[smem:$0x3F91] =	sst s1;
	(tag) =	ssettag s2;
	_ =	strace s9  }
0x27: {  	s1 =	sld [smem:$0x3FA1]  }
0x28: {  	s2 =	sld [smem:$0x3FA2]  }
0x29: {  	s4 =	sld [smem:$0x3FA4]  }
0x2a: {  	p0 =	seq.s32 s5, $0x0;
	s5 =	sld [smem:$0x3FA5]  }
0x2b: {  	s6 =	sld [smem:$0x3FA6]  }
0x2c: {  	s7 =	sld [smem:$0x3FA7]  }
0x2d: {  	s3 =	simm.s32 $0x108;
	s8 =	sld [smem:$0x3FA8]  }
0x2e: {  	s3 =	simm.s32 @!p0 $0x1082;
	s9 =	sld [smem:$0x3FA9]  }
0x2f: {  	lr =	sadd.s32 s0, s3;
	s0 =	sld [smem:$0x3FA0]  }
0x30: {  	s3 =	sld [smem:$0x3FA3]  }
0x31: {  	[smem:$0x3FAC] =	sst s10  }
0x32: {  	s10 =	sld [smem:$0x3FAA];
	_ =	sdelay $0x3  }
0x33: {  	p0 =	seq.s32 s10, $0x1;
	s10 =	sld [smem:$0x3FAC];
	_ =	sdelay $0x3  }
0x34: {  	[smem:$0x3FAC] =	sst s10  }
0x35: {  	s10 =	sld [smem:$0x3FAB];
	_ =	sdelay $0x3  }
0x36: {  	p1 =	seq.s32 s10, $0x1;
	s10 =	sld [smem:$0x3FAC];
	_ =	sdelay $0x3  }
0x37: {  	[smem:$0x3FAC] =	sst s10  }
0x38: {  	s10 =	sld [smem:$0x3FAD]  }
0x39: {  	_ = 	snop;
	(pc) =	sbr.ind lr, $3  }
0x3a: {  	_ = 	snop  }
0x3b: {  	_ = 	snop  }
0x3c: {  	p2 =	seq.s32 s10, $0x1;
	s10 =	sld [smem:$0x3FAC]  }
0x3d: {  	_ =	shalt  }
0x3e: {  	_ =	shalt  }
0x3f: {  	_ =	shalt  }
0x40: {  	_ =	shalt  }
0x41: {  	_ =	shalt  }
0x42: {  	_ =	shalt  }
0x43: {  	_ =	shalt  }
0x44: {  	_ =	shalt  }
0x45: {  	_ =	shalt  }
0x46: {  	_ =	shalt  }
0x47: {  	_ =	shalt  }
0x48: {  	_ =	shalt  }
0x49: {  	_ =	shalt  }
0x4a: {  	_ =	shalt  }
0x4b: {  	_ =	shalt  }
0x4c: {  	_ =	shalt  }
0x4d: {  	_ =	shalt  }
0x4e: {  	_ =	shalt  }
0x4f: {  	_ =	shalt  }
0x50: {  	_ =	shalt  }
0x51: {  	_ =	shalt  }
0x52: {  	_ =	shalt  }
0x53: {  	_ =	shalt  }
0x54: {  	_ =	shalt  }
0x55: {  	_ =	shalt  }
0x56: {  	_ =	shalt  }
0x57: {  	_ =	shalt  }
0x58: {  	_ =	shalt  }
0x59: {  	_ =	shalt  }
0x5a: {  	_ =	shalt  }
0x5b: {  	_ =	shalt  }
0x5c: {  	_ =	shalt  }
0x5d: {  	_ =	shalt  }
0x5e: {  	_ =	shalt  }
0x5f: {  	_ =	shalt  }
0x60: {  	_ =	shalt  }
0x61: {  	_ =	shalt  }
0x62: {  	_ =	shalt  }
0x63: {  	_ =	shalt  }
0x64: {  	_ =	shalt  }
0x65: {  	_ =	shalt  }
0x66: {  	_ =	shalt  }
0x67: {  	_ =	shalt  }
0x68: {  	_ =	shalt  }
0x69: {  	_ =	shalt  }
0x6a: {  	_ =	shalt  }
0x6b: {  	_ =	shalt  }
0x6c: {  	_ =	shalt  }
0x6d: {  	_ =	shalt  }
0x6e: {  	_ =	shalt  }
0x6f: {  	_ =	shalt  }
0x70: {  	_ =	shalt  }
0x71: {  	_ =	shalt  }
0x72: {  	_ =	shalt  }
0x73: {  	_ =	shalt  }
0x74: {  	_ =	shalt  }
0x75: {  	_ =	shalt  }
0x76: {  	_ =	shalt  }
0x77: {  	_ =	shalt  }
0x78: {  	_ =	shalt  }
0x79: {  	_ =	shalt  }
0x7a: {  	_ =	shalt  }
0x7b: {  	_ =	shalt  }
0x7c: {  	_ =	shalt  }
0x7d: {  	_ =	shalt  }
0x7e: {  	_ =	shalt  }
0x7f: {  	_ =	shalt  }
0x80: {  	_ =	shalt  }
0x81: {  	_ =	shalt  }
0x82: {  	_ =	shalt  }
0x83: {  	_ =	shalt  }
0x84: {  	_ =	shalt  }
0x85: {  	_ =	shalt  }
0x86: {  	_ =	shalt  }
0x87: {  	_ =	shalt  }
.Lfunc_end0:
.L_simem_size_0:
called_computation_lowered:
.L_overlay_start_0:
0x88: {  	s2 =	sld [smem:$0x3FD9]  }
0x89: {  	s3 =	sld [smem:$0x3FFE];
	_ =	sdelay $0x1  }
0x8a: {  	s1 =	srdreg.scid  }
0x8b: {  	s0 =	sand.u32 $0x1, s1  }
0x8c: {  	s16 =	sshll.u32 s0, $0xA;
	s2 =	sadd.s32 s3, s2  }
0x8d: {  	s2 =	sadd.s32 s2, s16  }
0x8e: {  	[smem:$0x3FB8] =	sst s2  }
0x8f: {  	_ = 	snop  }
0x90: {  	(tm) =	ssettm $0x1  }
0x91: {  	s17 =	sld [smem:$0x3FFB];
	_ =	sdelay $0x3  }
0x92: {  	_ =	strace s17  }
0x93: {  	s2 =	sld [smem:$0x3FFC];
	_ =	sdelay $0x3  }
0x94: {  	_ =	strace s2  }
0x95: {  	s2 =	sld [smem:$0x3FFD];
	_ =	sdelay $0x3  }
0x96: {  	_ =	strace s2  }
0x97: {  	_ =	strace $0x8FFFFFFF  }
0x98: {  	s18 =	sld [smem:$0x3FDB];
	_ =	sdelay $0x1  }
0x99: {  	s19 =	simm.s32 $_scs_section_size  }
0x9a: {  	s4 =	simm.s32 $_size__tile_overlayer_lowered;
	s5 =	simm.s32 $_tile_overlayer_lowered  }
0x9b: {  	s22 =	simm.s32 $0x1BFF;
	s21 =	sshll.u32 s5, $0x1;
	s2 =	sadd.s32 s19, s18  }
0x9c: {  	s6 =	simm.s32 $0x0;
	s20 =	sshll.u32 s4, $0x1;
	s4 =	sadd.s32 s21, s2  }
0x9d: {  	[timem:s6], [sflag:s22] =	dma.local [hbm:s4], s20  }
0x9e: {  	_ =	swait.ge [sflag:s22], s20  }
0x9f: {  	s3 =	ssub.s32 $0x0, s20;
	[sflag:s22] =	ssyncset.done $0x0  }
0xa0: {  	[sflag:s22] =	ssyncadd.s32 s3;
	_ =	sdelay $0x1  }
0xa1: {  	s23 =	simm.s32 $0x1B8B  }
0xa2: {  	_ =	swait.ge [sflag:s23], $0x1  }
0xa3: {  	[sflag:s23] =	ssyncset.done $0x0  }
0xa4: {  	s25 =	simm.s32 $0x1B8E;
	s24 =	sld [smem:$0x3FFE];
	[sflag:s23] =	ssyncadd.s32 $0xFFFFFFFF  }
0xa5: {  	s26 =	simm.s32 $execute0_lowered;
	[smem:$0x3FD2] =	sst s25  }
0xa6: {  	s4 =	sshll.u32 s26, $0x1;
	_ =	strace $0x80000046;
	[dreg:$0x1] =	wrdreg $0xFFFFFFFF  }
0xa7: {  	s28 =	simm.s32 $_size_execute0_lowered;
	s2 =	sadd.s32 s2, s4;
	[dreg:$0x0] =	wrdreg $0x0  }
0xa8: {  	s4 =	sshll.u32 s28, $0x1;
	[dreg:$0x2] =	wrdreg s2  }
0xa9: {  	[dreg:$0x3] =	wrdreg s4  }
0xaa: {  	[dreg:$0x4] =	wrdreg $0xC0  }
0xab: {  	_ =	task [dreg:s6], $0x5FFFF  }
0xac: {  	[dreg:$0x1] =	wrdreg $0xFFFFFFFF  }
0xad: {  	[dreg:$0x0] =	wrdreg $0x60  }
0xae: {  	[dreg:$0x2] =	wrdreg s24  }
0xaf: {  	[dreg:$0x3] =	wrdreg $0x0  }
0xb0: {  	[dreg:$0x4] =	wrdreg $0x9  }
0xb1: {  	_ =	task.clear_ibuf [dreg:s6], $0x5FFFF;
	_ =	strace $0x90000046  }
0xb2: {  	s29 =	simm.s32 $0x9;
	_ =	strace $0x80000048  }
0xb3: {  	_ =	swait.ge [sflag:s29], $0x1  }
0xb4: {  	[sflag:s29] =	ssyncadd.s32 $0xFFFFFFFF  }
0xb5: {  	_ =	strace $0x90000048  }
0xb6: {  	_ =	sfence  }
0xb7: {  	s30 =	sld [smem:$0x0];
	_ =	sdelay $0x2  }
0xb8: {  	s31 =	sshll.u32 s1, $0xD;
	s1 =	sshrl.u32 s1, $0x2  }
0xb9: {  	s3 =	sand.u32 $0x4000, s31;
	s1 =	sadd.s32 s1, s30  }
0xba: {  	s0 =	sor.u32 s3, s0;
	s1 =	sshll.u32 s1, $0x11  }
0xbb: {  	s0 =	sor.u32 s1, s0  }
0xbc: {  	s0 =	sadd.s32 $0x8F2B, s0  }
0xbd: {  	[sflag:s0] =	ssyncadd.remote.s32 $0x1  }
0xbe: {  	_ =	sfence.sel $0xFFFF  }
0xbf: {  	[dreg:$0x0] =	wrdreg $0xFFFFFFFF;
	(pc) =	sbr.abs _section_cstart, $3  }
0xc0: {  	[dreg:$0x1] =	wrdreg $0xFFFFFFFF  }
0xc1: {  	_ =	task.clear_ibuf [dreg:s6], $0x2FFFF;
	_ =	strace $0x9FFFFFFF  }
0xc2: {  	(tm) =	ssettm $0x7FFFFFFF  }
0xc3: {  	_ =	shalt  }
tec
execute0_lowered:
.L_overlay_start_1:
0x0: {  	(tag) =	ssettag $0x1  }
0x1: {  	s5 =	rddreg [dreg:$0x0]  }
0x2: {  	s0 =	srdreg.scid;
	s2 =	rddreg [dreg:$0x1]  }
0x3: {  	s1 =	rddreg [dreg:$0x2];
	s4 =	sand.u32 $0x1, s0  }
0x4: {  	s3 =	simm.s32 $0x0;
	s0 =	stileid.u32;
	s6 =	smul.u32 $0x27100, s4  }
0x5: {  	s12 =	simm.s32 $0x14080;
	s13 =	simm.s32 $0x14000;
	s7 =	smul.u32 $0x2710, s0  }
0x6: {  	s14 =	simm.s32 $0x50;
	[smem:$0x7FF] =	sst s3;
	s25 =	smul.u32 $0x2800, s0  }
0x7: {  	s15 =	simm.s32 $0x0;
	s8 =	smul.u32 $0x28000, s4;
	_ =	strace $0x80000047  }
0x8: {  	s28 =	ssub.s32 $0x2, s4;
	s10 =	smul.u32 $0x50000, s0;
	s4 =	sadd.s32 $0x34C00, s5  }
0x9: {  	s31 =	sshll.u32 s0, $0x6;
	s29 =	sshrl.u32 s28, $0x1;
	s6 =	sadd.s32 s7, s6  }
0xa: {  	s26 =	sadd.s32 s25, s5;
	s7 =	sadd.s32 s25, s8;
	s8 =	ssub.s32 s28, s29  }
0xb: {  	s30 =	sshrl.u32 s10, $0x2;
	s6 =	sshrl.u32 s6, $0x3;
	s7 =	sadd.s32 s7, s5  }
0xc: {  	s11 =	sadd.s32 s30, s2;
	s8 =	smax.u32 s8, $0x1;
	s9 =	sadd.s32 s6, s5  }
0xd: {  	s5 =	sadd.s32 $0xCC00, s26;
	s6 =	sor.u32 $0x1C01, s31;
	s7 =	sadd.s32 $0x35200, s7  }
0xe: {  	s10 =	sshrl.u32 s11, $0x3;
	s11 =	simm.s32 $0x1;
	s9 =	sadd.s32 $0x2E00, s9  }
.LBB2_1:
0xf: {  	[spmem:s10], [sflag:s6] =	dma.local [hbm:s5], $0x2800  }
0x10: {  	_ =	swait.ge [sflag:s11], $0x2800  }
0x11: {  	[sflag:s11] =	ssyncset.done $0x0  }
0x12: {  	[sflag:s11] =	ssyncadd.s32 $0xFFFFD800  }
0x13: {  	[tilespmem:s12], [sflag:$0x1] =	stream.linear.gather [hbm4b:s4+s3], $0x2800, $0x38;
	[tilespmem:$0x16880] =	vst v63  }
0x14: {  	_ =	swait.ge [sflag:s11], $0x2800  }
0x15: {  	[sflag:s11] =	ssyncset.done $0x0  }
0x16: {  	[sflag:s11] =	ssyncadd.s32 $0xFFFFD800  }
0x17: {  	s16 =	sadd.s32 $0x0, s9;
	[bflag:$0x0] =	sbarrier.arrive $0xFFFF  }
0x18: {  	[tilespmem:s13], [sflag:$0x1] =	stream.linear.gather [hbm4b:s16+s3], $0x50, $0x38;
	[tilespmem:$0x16880] =	vst v63  }
0x19: {  	_ =	swait.ge [sflag:s11], $0x50  }
0x1a: {  	[sflag:s11] =	ssyncset.done $0x0  }
0x1b: {  	[sflag:s11] =	ssyncadd.s32 $0xFFFFFFB0  }
0x1c: {  	[spmem:s2] =	stream.indirect.scatter.add.f32 [tilespmem:s12], [sflag:$0x1], $0x80, s13, s14, $0xb8;
	[tilespmem:$0x16880] =	vst v63  }
0x1d: {  	_ =	swait.ge [sflag:s11], $0x2800  }
0x1e: {  	s17 =	simm.s32 $0x14;
	s16 =	simm.s32 $0xA;
	[sflag:s11] =	ssyncset.done $0x0  }
.LBB2_2:
0x1f: {  	s18 =	sadd.s32 s16, s9  }
0x20: {  	[sflag:s11] =	ssyncadd.s32 $0xFFFFD800;
	s16 =	smov.u32 s17;
	s19 =	sadd.s32 $0xA, s17  }
0x21: {  	[tilespmem:s13], [sflag:$0x1] =	stream.linear.gather [hbm4b:s18+s3], $0x50, $0x38;
	[tilespmem:$0x16880] =	vst v63  }
0x22: {  	p0 =	sne.s32 s17, $0x4D8;
	_ =	swait.ge [sflag:s11], $0x50  }
.Ltmp0:
0x23: {  	[sflag:s11] =	ssyncset.done $0x0;
	(pc) =	sbr.rel @p0 .LBB2_2-.Ltmp0, $4  }
0x24: {  	[sflag:s11] =	ssyncadd.s32 $0xFFFFFFB0  }
0x25: {  	[spmem:s2] =	stream.indirect.scatter.add.f32 [tilespmem:s12], [sflag:$0x1], $0x80, s13, s14, $0xb8;
	[tilespmem:$0x16880] =	vst v63  }
0x26: {  	_ =	swait.ge [sflag:s11], $0x2800  }
0x27: {  	s17 =	smov.u32 s19;
	[sflag:s11] =	ssyncset.done $0x0  }
0x28: {  	s16 =	sadd.s32 s16, s9;
	[sflag:s11] =	ssyncadd.s32 $0xFFFFD800  }
0x29: {  	[tilespmem:s13], [sflag:$0x1] =	stream.linear.gather [hbm4b:s16+s3], $0x50, $0x38;
	[tilespmem:$0x16880] =	vst v63  }
0x2a: {  	_ =	swait.ge [sflag:s11], $0x50  }
0x2b: {  	[sflag:s11] =	ssyncset.done $0x0  }
0x2c: {  	[sflag:s11] =	ssyncadd.s32 $0xFFFFFFB0  }
0x2d: {  	[spmem:s2] =	stream.indirect.scatter.add.f32 [tilespmem:s12], [sflag:$0x1], $0x80, s13, s14, $0xb8;
	[tilespmem:$0x16880] =	vst v63  }
0x2e: {  	_ =	swait.ge [sflag:s11], $0x2800  }
0x2f: {  	s15 =	sadd.s32 $0x1, s15;
	[sflag:s11] =	ssyncset.done $0x0  }
0x30: {  	p0 =	sne.s32 s15, s8;
	[sflag:s11] =	ssyncadd.s32 $0xFFFFD800  }
.Ltmp1:
0x31: {  	[bflag:$0x0] =	sbarrier.arrive $0xFFFF;
	(pc) =	sbr.rel @p0 .LBB2_1-.Ltmp1, $4  }
0x32: {  	[hbm:s7], [sflag:s6] =	dma.local [spmem:s10], $0x2800  }
0x33: {  	_ =	swait.ge [sflag:s11], $0x2800  }
0x34: {  	[sflag:s11] =	ssyncset.done $0x0  }
0x35: {  	[sflag:s11] =	ssyncadd.s32 $0xFFFFD800  }
0x36: {  	_ =	sfence.sel $0x180000  }
0x37: {  	[bflag:$0x0] =	sbarrier.arrive $0xFFFF  }
0x38: {  	p0 =	sne.s32 s0, $0x0;
	_ =	strace $0x90000047  }
0x39: {  	s0 =	sadd.s32 @!p0 $0x100000, s1;
	[bflag:$0x2] =	sbarrier.arrive $0xFFFF  }
0x3a: {  	[sflag:s0] =	ssyncadd.tile.s32 @!p0 $0x1;
	_ =	shalt  }
.Lfunc_end2:
_tile_overlayer_lowered:
.L_overlay_start_2:
0x3b: {  	(tag) =	ssettag $0x2  }
0x3c: {  	s0 =	rddreg [dreg:$0x0];
	s2 =	stileid.u32  }
0x3d: {  	s1 =	rddreg [dreg:$0x1];
	p0 =	sne.s32 s2, $0x0  }
0x3e: {  	s3 =	rddreg [dreg:$0x2];
	[bflag:$0x3] =	sbarrier.arrive $0xFFFF;
	s2 =	simm.s32 @!p0 $0x1C01  }
0x3f: {  	[timem:s3], [sflag:s2] =	dma.local @!p0 [hbm:s0], s1  }
0x40: {  	s0 =	simm.s32 @!p0 $0x1  }
0x41: {  	_ =	swait.ge @!p0 [sflag:s0], s1  }
0x42: {  	s1 =	ssub.s32 @!p0 $0x0, s1;
	[sflag:s0] =	ssyncset.done @!p0 $0x0  }
0x43: {  	[sflag:s0] =	ssyncadd.s32 @!p0 s1  }
0x44: {  	[bflag:$0x3] =	sbarrier.arrive $0xFFFF  }
0x45: {  	_ =	shalt  }

// kernel: kernel.13.cloned.1.call-start
scs
__scs_entry_jumppad:
0x0: {  	(pc) =	sbr.rel $0x88, $3  }
0x1: {  	(tag) =	ssettag $0x0;
	lr =	simm.s32 $0x1  }
0x2: {  	[smem:$0x3F91] =	sst lr;
	_ =	strace $0xD0000000  }
0x3: {  	_ = 	snop  }
0x4: {  	_ = 	snop  }
0x5: {  	_ = 	snop  }
0x6: {  	_ = 	snop  }
0x7: {  	_ = 	snop  }
__scs_overlays_trampoline_lowered:
0x8: {  	[smem:$0x3FA0] =	sst s0  }
0x9: {  	[smem:$0x3FA1] =	sst s1  }
0xa: {  	[smem:$0x3FA2] =	sst s2  }
0xb: {  	[smem:$0x3FA3] =	sst s3  }
0xc: {  	[smem:$0x3FA4] =	sst s4  }
0xd: {  	[smem:$0x3FA5] =	sst s5  }
0xe: {  	[smem:$0x3FA6] =	sst s6  }
0xf: {  	[smem:$0x3FA7] =	sst s7  }
0x10: {  	[smem:$0x3FA8] =	sst s8  }
0x11: {  	[smem:$0x3FA9] =	sst s9;
	s0 =	simm.s32 @!p0 $0x0  }
0x12: {  	s1 =	sld [smem:$0x3F8F];
	s0 =	simm.s32 @p0 $0x1  }
0x13: {  	[smem:$0x3FAA] =	sst s0;
	s0 =	simm.s32 @!p1 $0x0  }
0x14: {  	s2 =	sld [smem:$0x3F8E];
	s0 =	simm.s32 @p1 $0x1  }
0x15: {  	[smem:$0x3FAB] =	sst s0;
	s0 =	simm.s32 @!p2 $0x0  }
0x16: {  	s3 =	sld [smem:$0x3FDB];
	s0 =	simm.s32 @p2 $0x1  }
0x17: {  	s4 =	simm.s32 $0x1BF5;
	[smem:$0x3FAD] =	sst s0  }
0x18: {  	s0 =	sld [smem:$0x3F90];
	_ =	swait.ge [sflag:s4], $0x0  }
0x19: {  	s7 =	sld [smem:$0x3F91]  }
0x1a: {  	s8 =	sadd.s32 $0xFFFFE003, lr  }
0x1b: {  	s9 =	sadd.s32 $0xFFFFFEF7, lr;
	s5 =	simm.s32 $0xFFFFFFFF;
	p2 =	slt.u32 s8, $0xFFFFF086  }
0x1c: {  	p1 =	slt.u32 s9, $0xF7A;
	s5 =	simm.s32 @!p2 $0x0  }
0x1d: {  	s5 =	simm.s32 @p1 $0x1;
	p0 =	seq.s32 s7, s2  }
0x1e: {  	s7 =	smul.u32 @!p0 $0xF7A, s2;
	p2 =	seq.s32 @!p0 s5, $0x0  }
0x1f: {  	s9 =	smul.u32 $0xF7A, s1;
	s8 =	simm.s32 @!p0 $0x1BF5;
	p2 =	por !p2, p0  }
0x20: {  	[sflag:s8] =	ssyncset.s32 @!p0 $0xFFFFF086;
	s6 =	sadd.s32 @!p0 s3, s7;
	s7 =	simm.s32 @!p0 $0x108  }
0x21: {  	s3 =	sadd.s32 s3, s9;
	s6 =	sadd.s32 @!p0 $0x88, s6;
	s7 =	simm.s32 @p2 $0x1082  }
0x22: {  	[simem:s7], [sflag:s8] =	dma.local @!p0 [hbm:s6], $0xF7A  }
0x23: {  	s9 =	sor.u32 $0xD0000000, s2;
	s6 =	simm.s32 $0x108;
	_ =	swait.ge @!p0 [sflag:s8], $0x0  }
0x24: {  	s3 =	sadd.s32 $0x88, s3;
	s6 =	simm.s32 @!p1 $0x1082;
	[sflag:s4] =	ssyncset.s32 $0xFFFFF086  }
0x25: {  	[simem:s6], [sflag:s4] =	dma.local [hbm:s3], $0xF7A  }
0x26: {  	[smem:$0x3F91] =	sst s1;
	(tag) =	ssettag s2;
	_ =	strace s9  }
0x27: {  	s1 =	sld [smem:$0x3FA1]  }
0x28: {  	s2 =	sld [smem:$0x3FA2]  }
0x29: {  	s4 =	sld [smem:$0x3FA4]  }
0x2a: {  	p0 =	seq.s32 s5, $0x0;
	s5 =	sld [smem:$0x3FA5]  }
0x2b: {  	s6 =	sld [smem:$0x3FA6]  }
0x2c: {  	s7 =	sld [smem:$0x3FA7]  }
0x2d: {  	s3 =	simm.s32 $0x108;
	s8 =	sld [smem:$0x3FA8]  }
0x2e: {  	s3 =	simm.s32 @!p0 $0x1082;
	s9 =	sld [smem:$0x3FA9]  }
0x2f: {  	lr =	sadd.s32 s0, s3;
	s0 =	sld [smem:$0x3FA0]  }
0x30: {  	s3 =	sld [smem:$0x3FA3]  }
0x31: {  	[smem:$0x3FAC] =	sst s10  }
0x32: {  	s10 =	sld [smem:$0x3FAA];
	_ =	sdelay $0x3  }
0x33: {  	p0 =	seq.s32 s10, $0x1;
	s10 =	sld [smem:$0x3FAC];
	_ =	sdelay $0x3  }
0x34: {  	[smem:$0x3FAC] =	sst s10  }
0x35: {  	s10 =	sld [smem:$0x3FAB];
	_ =	sdelay $0x3  }
0x36: {  	p1 =	seq.s32 s10, $0x1;
	s10 =	sld [smem:$0x3FAC];
	_ =	sdelay $0x3  }
0x37: {  	[smem:$0x3FAC] =	sst s10  }
0x38: {  	s10 =	sld [smem:$0x3FAD]  }
0x39: {  	_ = 	snop;
	(pc) =	sbr.ind lr, $3  }
0x3a: {  	_ = 	snop  }
0x3b: {  	_ = 	snop  }
0x3c: {  	p2 =	seq.s32 s10, $0x1;
	s10 =	sld [smem:$0x3FAC]  }
0x3d: {  	_ =	shalt  }
0x3e: {  	_ =	shalt  }
0x3f: {  	_ =	shalt  }
0x40: {  	_ =	shalt  }
0x41: {  	_ =	shalt  }
0x42: {  	_ =	shalt  }
0x43: {  	_ =	shalt  }
0x44: {  	_ =	shalt  }
0x45: {  	_ =	shalt  }
0x46: {  	_ =	shalt  }
0x47: {  	_ =	shalt  }
0x48: {  	_ =	shalt  }
0x49: {  	_ =	shalt  }
0x4a: {  	_ =	shalt  }
0x4b: {  	_ =	shalt  }
0x4c: {  	_ =	shalt  }
0x4d: {  	_ =	shalt  }
0x4e: {  	_ =	shalt  }
0x4f: {  	_ =	shalt  }
0x50: {  	_ =	shalt  }
0x51: {  	_ =	shalt  }
0x52: {  	_ =	shalt  }
0x53: {  	_ =	shalt  }
0x54: {  	_ =	shalt  }
0x55: {  	_ =	shalt  }
0x56: {  	_ =	shalt  }
0x57: {  	_ =	shalt  }
0x58: {  	_ =	shalt  }
0x59: {  	_ =	shalt  }
0x5a: {  	_ =	shalt  }
0x5b: {  	_ =	shalt  }
0x5c: {  	_ =	shalt  }
0x5d: {  	_ =	shalt  }
0x5e: {  	_ =	shalt  }
0x5f: {  	_ =	shalt  }
0x60: {  	_ =	shalt  }
0x61: {  	_ =	shalt  }
0x62: {  	_ =	shalt  }
0x63: {  	_ =	shalt  }
0x64: {  	_ =	shalt  }
0x65: {  	_ =	shalt  }
0x66: {  	_ =	shalt  }
0x67: {  	_ =	shalt  }
0x68: {  	_ =	shalt  }
0x69: {  	_ =	shalt  }
0x6a: {  	_ =	shalt  }
0x6b: {  	_ =	shalt  }
0x6c: {  	_ =	shalt  }
0x6d: {  	_ =	shalt  }
0x6e: {  	_ =	shalt  }
0x6f: {  	_ =	shalt  }
0x70: {  	_ =	shalt  }
0x71: {  	_ =	shalt  }
0x72: {  	_ =	shalt  }
0x73: {  	_ =	shalt  }
0x74: {  	_ =	shalt  }
0x75: {  	_ =	shalt  }
0x76: {  	_ =	shalt  }
0x77: {  	_ =	shalt  }
0x78: {  	_ =	shalt  }
0x79: {  	_ =	shalt  }
0x7a: {  	_ =	shalt  }
0x7b: {  	_ =	shalt  }
0x7c: {  	_ =	shalt  }
0x7d: {  	_ =	shalt  }
0x7e: {  	_ =	shalt  }
0x7f: {  	_ =	shalt  }
0x80: {  	_ =	shalt  }
0x81: {  	_ =	shalt  }
0x82: {  	_ =	shalt  }
0x83: {  	_ =	shalt  }
0x84: {  	_ =	shalt  }
0x85: {  	_ =	shalt  }
0x86: {  	_ =	shalt  }
0x87: {  	_ =	shalt  }
.Lfunc_end0:
.L_simem_size_0:
called_computation.1_lowered:
.L_overlay_start_0:
0x88: {  	s2 =	sld [smem:$0x3FD9]  }
0x89: {  	s3 =	sld [smem:$0x3FFE];
	_ =	sdelay $0x1  }
0x8a: {  	s1 =	srdreg.scid  }
0x8b: {  	s0 =	sand.u32 $0x1, s1  }
0x8c: {  	s16 =	sshll.u32 s0, $0xA;
	s2 =	sadd.s32 s3, s2  }
0x8d: {  	s2 =	sadd.s32 s2, s16  }
0x8e: {  	[smem:$0x3FB8] =	sst s2  }
0x8f: {  	_ = 	snop  }
0x90: {  	(tm) =	ssettm $0x1  }
0x91: {  	s17 =	sld [smem:$0x3FFB];
	_ =	sdelay $0x3  }
0x92: {  	_ =	strace s17  }
0x93: {  	s2 =	sld [smem:$0x3FFC];
	_ =	sdelay $0x3  }
0x94: {  	_ =	strace s2  }
0x95: {  	s2 =	sld [smem:$0x3FFD];
	_ =	sdelay $0x3  }
0x96: {  	_ =	strace s2  }
0x97: {  	_ =	strace $0x8FFFFFFF  }
0x98: {  	s18 =	sld [smem:$0x3FDB];
	_ =	sdelay $0x1  }
0x99: {  	s19 =	simm.s32 $_scs_section_size  }
0x9a: {  	s4 =	simm.s32 $_size__tile_overlayer_lowered;
	s5 =	simm.s32 $_tile_overlayer_lowered  }
0x9b: {  	s22 =	simm.s32 $0x1BFF;
	s21 =	sshll.u32 s5, $0x1;
	s2 =	sadd.s32 s19, s18  }
0x9c: {  	s6 =	simm.s32 $0x0;
	s20 =	sshll.u32 s4, $0x1;
	s4 =	sadd.s32 s21, s2  }
0x9d: {  	[timem:s6], [sflag:s22] =	dma.local [hbm:s4], s20  }
0x9e: {  	_ =	swait.ge [sflag:s22], s20  }
0x9f: {  	s3 =	ssub.s32 $0x0, s20;
	[sflag:s22] =	ssyncset.done $0x0  }
0xa0: {  	[sflag:s22] =	ssyncadd.s32 s3;
	_ =	sdelay $0x1  }
0xa1: {  	s23 =	simm.s32 $0x1B8B  }
0xa2: {  	_ =	swait.ge [sflag:s23], $0x1  }
0xa3: {  	[sflag:s23] =	ssyncset.done $0x0  }
0xa4: {  	s25 =	simm.s32 $0x1B8E;
	s24 =	sld [smem:$0x3FFE];
	[sflag:s23] =	ssyncadd.s32 $0xFFFFFFFF  }
0xa5: {  	s26 =	simm.s32 $execute0_lowered;
	[smem:$0x3FD2] =	sst s25  }
0xa6: {  	s4 =	sshll.u32 s26, $0x1;
	_ =	strace $0x80000049;
	[dreg:$0x1] =	wrdreg $0xFFFFFFFF  }
0xa7: {  	s28 =	simm.s32 $_size_execute0_lowered;
	s2 =	sadd.s32 s2, s4;
	[dreg:$0x0] =	wrdreg $0x0  }
0xa8: {  	s4 =	sshll.u32 s28, $0x1;
	[dreg:$0x2] =	wrdreg s2  }
0xa9: {  	[dreg:$0x3] =	wrdreg s4  }
0xaa: {  	[dreg:$0x4] =	wrdreg $0xC0  }
0xab: {  	_ =	task [dreg:s6], $0x5FFFF  }
0xac: {  	[dreg:$0x1] =	wrdreg $0xFFFFFFFF  }
0xad: {  	[dreg:$0x0] =	wrdreg $0x60  }
0xae: {  	[dreg:$0x2] =	wrdreg s24  }
0xaf: {  	[dreg:$0x3] =	wrdreg $0x0  }
0xb0: {  	[dreg:$0x4] =	wrdreg $0x9  }
0xb1: {  	_ =	task.clear_ibuf [dreg:s6], $0x5FFFF;
	_ =	strace $0x90000049  }
0xb2: {  	s29 =	simm.s32 $0x9;
	_ =	strace $0x8000004B  }
0xb3: {  	_ =	swait.ge [sflag:s29], $0x1  }
0xb4: {  	[sflag:s29] =	ssyncadd.s32 $0xFFFFFFFF  }
0xb5: {  	_ =	strace $0x9000004B  }
0xb6: {  	_ =	sfence  }
0xb7: {  	s30 =	sld [smem:$0x0];
	_ =	sdelay $0x2  }
0xb8: {  	s31 =	sshll.u32 s1, $0xD;
	s1 =	sshrl.u32 s1, $0x2  }
0xb9: {  	s3 =	sand.u32 $0x4000, s31;
	s1 =	sadd.s32 s1, s30  }
0xba: {  	s0 =	sor.u32 s3, s0;
	s1 =	sshll.u32 s1, $0x11  }
0xbb: {  	s0 =	sor.u32 s1, s0  }
0xbc: {  	s0 =	sadd.s32 $0x8F2B, s0  }
0xbd: {  	[sflag:s0] =	ssyncadd.remote.s32 $0x1  }
0xbe: {  	_ =	sfence.sel $0xFFFF  }
0xbf: {  	[dreg:$0x0] =	wrdreg $0xFFFFFFFF;
	(pc) =	sbr.abs _section_cstart, $3  }
0xc0: {  	[dreg:$0x1] =	wrdreg $0xFFFFFFFF  }
0xc1: {  	_ =	task.clear_ibuf [dreg:s6], $0x2FFFF;
	_ =	strace $0x9FFFFFFF  }
0xc2: {  	(tm) =	ssettm $0x7FFFFFFF  }
0xc3: {  	_ =	shalt  }
tec
execute0_lowered:
.L_overlay_start_1:
0x0: {  	(tag) =	ssettag $0x1  }
0x1: {  	s0 =	rddreg [dreg:$0x0]  }
0x2: {  	s1 =	rddreg [dreg:$0x1]  }
0x3: {  	s2 =	srdreg.scid;
	s3 =	simm.s32 $0x0;
	s12 =	stileid.u32  }
0x4: {  	s18 =	simm.s32 $0x3;
	s19 =	simm.s32 $0x14000;
	s20 =	simm.s32 $0x14100  }
0x5: {  	s21 =	simm.s32 $0x50;
	s22 =	simm.s32 $0x14200;
	s23 =	simm.s32 $0x14080  }
0x6: {  	s28 =	simm.s32 $0x2;
	s29 =	simm.s32 $0x0;
	s7 =	smul.u32 $0x280, s12  }
0x7: {  	s2 =	sand.u32 $0x1, s2;
	[smem:$0x7FF] =	sst s3;
	s24 =	smul.u32 $0x50000, s12  }
0x8: {  	s4 =	sadd.s32 $0x98C00, s0;
	s5 =	sadd.s32 $0x85200, s0;
	s10 =	smul.u32 $0x4E20, s12  }
0x9: {  	s15 =	sadd.s32 $0x2E00, s0;
	s25 =	sshll.u32 s12, $0x6;
	s31 =	smul.u32 $0x9C4, s12  }
0xa: {  	s6 =	smul.u32 $0x2800, s2;
	_ =	strace $0x8000004A;
	s8 =	ssub.s32 $0x2, s2  }
0xb: {  	s2 =	smul.u32 $0x4E200, s2;
	s9 =	sshrl.u32 s8, $0x1;
	s30 =	sshrl.u32 s10, $0x3  }
0xc: {  	s6 =	sadd.s32 s7, s6;
	s7 =	sshrl.u32 s24, $0x2;
	s11 =	ssub.s32 s8, s9  }
0xd: {  	s2 =	sadd.s32 s10, s2;
	s9 =	sadd.s32 s15, s30;
	s15 =	sadd.s32 s31, s15  }
0xe: {  	s24 =	simm.s32 $0x14180;
	s6 =	sshll.u32 s6, $0x4;
	s17 =	sadd.s32 s7, s1  }
0xf: {  	s7 =	sor.u32 $0x1C03, s25;
	s26 =	sshrl.u32 s2, $0x3;
	s11 =	smax.u32 s11, $0x1  }
0x10: {  	s14 =	sadd.s32 $0x50, s2;
	s13 =	sadd.s32 $0x9BA, s9;
	s25 =	simm.s32 $0x16A00  }
0x11: {  	s0 =	sadd.s32 s6, s0;
	s6 =	sadd.s32 s4, s6;
	s8 =	sadd.s32 s5, s26  }
0x12: {  	s16 =	sshrl.u32 s14, $0x3;
	s14 =	sadd.s32 $0xA0, s2;
	s17 =	sshrl.u32 s17, $0x3  }
0x13: {  	s26 =	simm.s32 $0x1;
	[dreg:$0x3] =	wrdreg s6;
	s0 =	sadd.s32 $0xE8C00, s0  }
0x14: {  	s12 =	sadd.s32 $0x9BA, s8;
	s16 =	sadd.s32 s16, s5;
	[dreg:$0x4] =	wrdreg s0  }
.LBB2_1:
0x15: {  	s0 =	rddreg [dreg:$0x3]  }
0x16: {  	[spmem:s17], [sflag:s7] =	dma.local [hbm:s0], $0x2800  }
0x17: {  	_ =	swait.ge [sflag:s18], $0x2800  }
0x18: {  	[sflag:s18] =	ssyncset.done $0x0  }
0x19: {  	[sflag:s18] =	ssyncadd.s32 $0xFFFFD800  }
0x1a: {  	[bflag:$0x0] =	sbarrier.arrive $0xFFFF  }
0x1b: {  	[tilespmem:s19], [sflag:$0x3] =	stream.linear.gather [hbm4b:s8+s3], $0x50, $0x38;
	[tilespmem:$0x19200] =	vst v63  }
0x1c: {  	_ =	swait.ge [sflag:s18], $0x50  }
0x1d: {  	[sflag:s18] =	ssyncset.done $0x0  }
0x1e: {  	[sflag:s18] =	ssyncadd.s32 $0xFFFFFFB0  }
0x1f: {  	[tilespmem:s20], [sflag:$0x3] =	stream.linear.gather [hbm4b:s9+s3], $0x50, $0x38;
	[tilespmem:$0x19200] =	vst v63  }
0x20: {  	_ =	swait.ge [sflag:s18], $0x50  }
0x21: {  	[sflag:s18] =	ssyncset.done $0x0  }
0x22: {  	[sflag:s18] =	ssyncadd.s32 $0xFFFFFFB0  }
0x23: {  	[tilespmem:s22], [sflag:$0x1] =	stream.indirect.gather [hbm4b:s4+s21], $0x80, s19, s21, $0xb8;
	[tilespmem:$0x19200] =	vst v63  }
0x24: {  	s2 =	sadd.s32 $0x0, s16  }
0x25: {  	[tilespmem:s23], [sflag:$0x3] =	stream.linear.gather [hbm4b:s2+s3], $0x50, $0x38;
	[tilespmem:$0x19200] =	vst v63  }
0x26: {  	_ =	swait.ge [sflag:s18], $0x50  }
0x27: {  	s6 =	sadd.s32 $0x0, s15;
	[sflag:s18] =	ssyncset.done $0x0  }
0x28: {  	s2 =	sadd.s32 $0xA, s6;
	[sflag:s18] =	ssyncadd.s32 $0xFFFFFFB0  }
0x29: {  	[tilespmem:s24], [sflag:$0x3] =	stream.linear.gather [hbm4b:s2+s3], $0x50, $0x38;
	[tilespmem:$0x19200] =	vst v63  }
0x2a: {  	_ =	swait.ge [sflag:s18], $0x50  }
0x2b: {  	[sflag:s18] =	ssyncset.done $0x0  }
0x2c: {  	[sflag:s18] =	ssyncadd.s32 $0xFFFFFFB0  }
0x2d: {  	[tilespmem:s25], [sflag:$0x2] =	stream.indirect.gather [hbm4b:s4+s21], $0x80, s23, s21, $0xb8;
	[tilespmem:$0x19200] =	vst v63  }
0x2e: {  	_ =	swait.ge [sflag:s26], $0x2800  }
0x2f: {  	[sflag:s26] =	ssyncset.done $0x0  }
0x30: {  	[sflag:s26] =	ssyncadd.s32 $0xFFFFD800  }
0x31: {  	[spmem:s1] =	stream.indirect.scatter.add.f32 [tilespmem:s22], [sflag:$0x3], $0x80, s20, s21, $0xb8;
	[tilespmem:$0x19200] =	vst v63  }
0x32: {  	_ =	swait.ge [sflag:s18], $0x2800  }
0x33: {  	s10 =	sshrl.u32 s14, $0x3;
	[sflag:s18] =	ssyncset.done $0x0  }
0x34: {  	s2 =	sadd.s32 s5, s10;
	[sflag:s18] =	ssyncadd.s32 $0xFFFFD800  }
0x35: {  	[tilespmem:s19], [sflag:$0x3] =	stream.linear.gather [hbm4b:s2+s3], $0x50, $0x38;
	[tilespmem:$0x19200] =	vst v63  }
0x36: {  	_ =	swait.ge [sflag:s18], $0x50  }
0x37: {  	[sflag:s18] =	ssyncset.done $0x0  }
0x38: {  	s0 =	sadd.s32 $0x14, s6;
	[sflag:s18] =	ssyncadd.s32 $0xFFFFFFB0  }
0x39: {  	[tilespmem:s20], [sflag:$0x3] =	stream.linear.gather [hbm4b:s0+s3], $0x50, $0x38;
	[tilespmem:$0x19200] =	vst v63  }
0x3a: {  	_ =	swait.ge [sflag:s18], $0x50  }
0x3b: {  	[sflag:s18] =	ssyncset.done $0x0  }
0x3c: {  	[sflag:s18] =	ssyncadd.s32 $0xFFFFFFB0  }
0x3d: {  	[tilespmem:s22], [sflag:$0x1] =	stream.indirect.gather [hbm4b:s4+s21], $0x80, s19, s21, $0xb8;
	[tilespmem:$0x19200] =	vst v63  }
0x3e: {  	_ =	swait.ge [sflag:s28], $0x2800  }
0x3f: {  	[sflag:s28] =	ssyncset.done $0x0  }
0x40: {  	[sflag:s28] =	ssyncadd.s32 $0xFFFFD800  }
0x41: {  	[spmem:s1] =	stream.indirect.scatter.add.f32 [tilespmem:s25], [sflag:$0x3], $0x80, s24, s21, $0xb8;
	[tilespmem:$0x19200] =	vst v63  }
0x42: {  	s31 =	simm.s32 $0x14;
	_ =	swait.ge [sflag:s18], $0x2800  }
0x43: {  	s30 =	sadd.s32 $0xA0, s14;
	s0 =	simm.s32 $0x28;
	[sflag:s18] =	ssyncset.done $0x0  }
.LBB2_2:
0x44: {  	s6 =	sadd.s32 s31, s16  }
0x45: {  	[sflag:s18] =	ssyncadd.s32 $0xFFFFD800;
	s10 =	smov.u32 s0;
	s2 =	sadd.s32 $0x14, s0  }
0x46: {  	[tilespmem:s23], [sflag:$0x3] =	stream.linear.gather [hbm4b:s6+s3], $0x50, $0x38;
	[tilespmem:$0x19200] =	vst v63  }
0x47: {  	p0 =	sne.s32 s0, $0x99C;
	_ =	swait.ge [sflag:s18], $0x50  }
0x48: {  	s0 =	sadd.s32 s31, s15;
	s31 =	smov.u32 s10;
	[sflag:s18] =	ssyncset.done $0x0  }
0x49: {  	s6 =	sadd.s32 $0xA, s0;
	[sflag:s18] =	ssyncadd.s32 $0xFFFFFFB0  }
0x4a: {  	[tilespmem:s24], [sflag:$0x3] =	stream.linear.gather [hbm4b:s6+s3], $0x50, $0x38;
	[tilespmem:$0x19200] =	vst v63  }
0x4b: {  	_ =	swait.ge [sflag:s18], $0x50  }
0x4c: {  	[sflag:s18] =	ssyncset.done $0x0  }
0x4d: {  	[sflag:s18] =	ssyncadd.s32 $0xFFFFFFB0  }
0x4e: {  	[tilespmem:s25], [sflag:$0x2] =	stream.indirect.gather [hbm4b:s4+s21], $0x80, s23, s21, $0xb8;
	[tilespmem:$0x19200] =	vst v63  }
0x4f: {  	_ =	swait.ge [sflag:s26], $0x2800  }
0x50: {  	[sflag:s26] =	ssyncset.done $0x0  }
0x51: {  	[sflag:s26] =	ssyncadd.s32 $0xFFFFD800  }
0x52: {  	[spmem:s1] =	stream.indirect.scatter.add.f32 [tilespmem:s22], [sflag:$0x3], $0x80, s20, s21, $0xb8;
	[tilespmem:$0x19200] =	vst v63  }
0x53: {  	_ =	swait.ge [sflag:s18], $0x2800  }
0x54: {  	s6 =	sshrl.u32 s30, $0x3;
	[sflag:s18] =	ssyncset.done $0x0  }
0x55: {  	s6 =	sadd.s32 s5, s6;
	[sflag:s18] =	ssyncadd.s32 $0xFFFFD800  }
0x56: {  	[tilespmem:s19], [sflag:$0x3] =	stream.linear.gather [hbm4b:s6+s3], $0x50, $0x38;
	[tilespmem:$0x19200] =	vst v63  }
0x57: {  	_ =	swait.ge [sflag:s18], $0x50  }
0x58: {  	[sflag:s18] =	ssyncset.done $0x0  }
0x59: {  	s0 =	sadd.s32 $0x14, s0;
	[sflag:s18] =	ssyncadd.s32 $0xFFFFFFB0  }
0x5a: {  	[tilespmem:s20], [sflag:$0x3] =	stream.linear.gather [hbm4b:s0+s3], $0x50, $0x38;
	[tilespmem:$0x19200] =	vst v63  }
0x5b: {  	_ =	swait.ge [sflag:s18], $0x50  }
0x5c: {  	[sflag:s18] =	ssyncset.done $0x0  }
0x5d: {  	[sflag:s18] =	ssyncadd.s32 $0xFFFFFFB0  }
0x5e: {  	[tilespmem:s22], [sflag:$0x1] =	stream.indirect.gather [hbm4b:s4+s21], $0x80, s19, s21, $0xb8;
	[tilespmem:$0x19200] =	vst v63  }
0x5f: {  	_ =	swait.ge [sflag:s28], $0x2800  }
.Ltmp0:
0x60: {  	[sflag:s28] =	ssyncset.done $0x0;
	(pc) =	sbr.rel @p0 .LBB2_2-.Ltmp0, $4  }
0x61: {  	[sflag:s28] =	ssyncadd.s32 $0xFFFFD800  }
0x62: {  	[spmem:s1] =	stream.indirect.scatter.add.f32 [tilespmem:s25], [sflag:$0x3], $0x80, s24, s21, $0xb8;
	[tilespmem:$0x19200] =	vst v63  }
0x63: {  	_ =	swait.ge [sflag:s18], $0x2800  }
0x64: {  	s30 =	sadd.s32 $0xA0, s30;
	s0 =	smov.u32 s2;
	[sflag:s18] =	ssyncset.done $0x0  }
0x65: {  	s0 =	sadd.s32 s31, s16;
	[sflag:s18] =	ssyncadd.s32 $0xFFFFD800  }
0x66: {  	[tilespmem:s23], [sflag:$0x3] =	stream.linear.gather [hbm4b:s0+s3], $0x50, $0x38;
	[tilespmem:$0x19200] =	vst v63  }
0x67: {  	_ =	swait.ge [sflag:s18], $0x50  }
0x68: {  	s10 =	sadd.s32 s31, s15;
	[sflag:s18] =	ssyncset.done $0x0  }
0x69: {  	s2 =	sadd.s32 $0xA, s10;
	[sflag:s18] =	ssyncadd.s32 $0xFFFFFFB0  }
0x6a: {  	[tilespmem:s24], [sflag:$0x3] =	stream.linear.gather [hbm4b:s2+s3], $0x50, $0x38;
	[tilespmem:$0x19200] =	vst v63  }
0x6b: {  	_ =	swait.ge [sflag:s18], $0x50  }
0x6c: {  	[sflag:s18] =	ssyncset.done $0x0  }
0x6d: {  	[sflag:s18] =	ssyncadd.s32 $0xFFFFFFB0  }
0x6e: {  	[tilespmem:s25], [sflag:$0x2] =	stream.indirect.gather [hbm4b:s4+s21], $0x80, s23, s21, $0xb8;
	[tilespmem:$0x19200] =	vst v63  }
0x6f: {  	_ =	swait.ge [sflag:s26], $0x2800  }
0x70: {  	[sflag:s26] =	ssyncset.done $0x0  }
0x71: {  	[sflag:s26] =	ssyncadd.s32 $0xFFFFD800  }
0x72: {  	[spmem:s1] =	stream.indirect.scatter.add.f32 [tilespmem:s22], [sflag:$0x3], $0x80, s20, s21, $0xb8;
	[tilespmem:$0x19200] =	vst v63  }
0x73: {  	_ =	swait.ge [sflag:s18], $0x2800  }
0x74: {  	s30 =	sshrl.u32 s30, $0x3;
	[sflag:s18] =	ssyncset.done $0x0  }
0x75: {  	s2 =	sadd.s32 s5, s30;
	[sflag:s18] =	ssyncadd.s32 $0xFFFFD800  }
0x76: {  	[tilespmem:s19], [sflag:$0x3] =	stream.linear.gather [hbm4b:s2+s3], $0x50, $0x38;
	[tilespmem:$0x19200] =	vst v63  }
0x77: {  	_ =	swait.ge [sflag:s18], $0x50  }
0x78: {  	[sflag:s18] =	ssyncset.done $0x0  }
0x79: {  	s0 =	sadd.s32 $0x14, s10;
	[sflag:s18] =	ssyncadd.s32 $0xFFFFFFB0  }
0x7a: {  	[tilespmem:s20], [sflag:$0x3] =	stream.linear.gather [hbm4b:s0+s3], $0x50, $0x38;
	[tilespmem:$0x19200] =	vst v63  }
0x7b: {  	_ =	swait.ge [sflag:s18], $0x50  }
0x7c: {  	[sflag:s18] =	ssyncset.done $0x0  }
0x7d: {  	[sflag:s18] =	ssyncadd.s32 $0xFFFFFFB0  }
0x7e: {  	[tilespmem:s22], [sflag:$0x1] =	stream.indirect.gather [hbm4b:s4+s21], $0x80, s19, s21, $0xb8;
	[tilespmem:$0x19200] =	vst v63  }
0x7f: {  	_ =	swait.ge [sflag:s28], $0x2800  }
0x80: {  	[sflag:s28] =	ssyncset.done $0x0  }
0x81: {  	[sflag:s28] =	ssyncadd.s32 $0xFFFFD800  }
0x82: {  	[spmem:s1] =	stream.indirect.scatter.add.f32 [tilespmem:s25], [sflag:$0x3], $0x80, s24, s21, $0xb8;
	[tilespmem:$0x19200] =	vst v63  }
0x83: {  	_ =	swait.ge [sflag:s18], $0x2800  }
0x84: {  	[sflag:s18] =	ssyncset.done $0x0  }
0x85: {  	[sflag:s18] =	ssyncadd.s32 $0xFFFFD800  }
0x86: {  	[tilespmem:s23], [sflag:$0x3] =	stream.linear.gather [hbm4b:s12+s3], $0x50, $0x38;
	[tilespmem:$0x19200] =	vst v63  }
0x87: {  	_ =	swait.ge [sflag:s18], $0x50  }
0x88: {  	[sflag:s18] =	ssyncset.done $0x0  }
0x89: {  	[sflag:s18] =	ssyncadd.s32 $0xFFFFFFB0  }
0x8a: {  	[tilespmem:s24], [sflag:$0x3] =	stream.linear.gather [hbm4b:s13+s3], $0x50, $0x38;
	[tilespmem:$0x19200] =	vst v63  }
0x8b: {  	_ =	swait.ge [sflag:s18], $0x50  }
0x8c: {  	[sflag:s18] =	ssyncset.done $0x0  }
0x8d: {  	[sflag:s18] =	ssyncadd.s32 $0xFFFFFFB0  }
0x8e: {  	[tilespmem:s25], [sflag:$0x2] =	stream.indirect.gather [hbm4b:s4+s21], $0x80, s23, s21, $0xb8;
	[tilespmem:$0x19200] =	vst v63  }
0x8f: {  	_ =	swait.ge [sflag:s26], $0x2800  }
0x90: {  	[sflag:s26] =	ssyncset.done $0x0  }
0x91: {  	[sflag:s26] =	ssyncadd.s32 $0xFFFFD800  }
0x92: {  	[spmem:s1] =	stream.indirect.scatter.add.f32 [tilespmem:s22], [sflag:$0x3], $0x80, s20, s21, $0xb8;
	[tilespmem:$0x19200] =	vst v63  }
0x93: {  	_ =	swait.ge [sflag:s18], $0x2800  }
0x94: {  	[sflag:s18] =	ssyncset.done $0x0  }
0x95: {  	[sflag:s18] =	ssyncadd.s32 $0xFFFFD800  }
0x96: {  	_ =	swait.ge [sflag:s28], $0x2800  }
0x97: {  	[sflag:s28] =	ssyncset.done $0x0  }
0x98: {  	[sflag:s28] =	ssyncadd.s32 $0xFFFFD800  }
0x99: {  	[spmem:s1] =	stream.indirect.scatter.add.f32 [tilespmem:s25], [sflag:$0x3], $0x80, s24, s21, $0xb8;
	[tilespmem:$0x19200] =	vst v63  }
0x9a: {  	_ =	swait.ge [sflag:s18], $0x2800  }
0x9b: {  	[sflag:s18] =	ssyncset.done $0x0  }
0x9c: {  	s29 =	sadd.s32 $0x1, s29;
	[sflag:s18] =	ssyncadd.s32 $0xFFFFD800  }
0x9d: {  	p0 =	sne.s32 s29, s11;
	[bflag:$0x0] =	sbarrier.arrive $0xFFFF  }
.Ltmp1:
0x9e: {  	s31 =	rddreg [dreg:$0x4];
	(pc) =	sbr.rel @p0 .LBB2_1-.Ltmp1, $4  }
0x9f: {  	[hbm:s31], [sflag:s7] =	dma.local [spmem:s17], $0x2800  }
0xa0: {  	_ =	swait.ge [sflag:s18], $0x2800  }
0xa1: {  	[sflag:s18] =	ssyncset.done $0x0  }
0xa2: {  	[sflag:s18] =	ssyncadd.s32 $0xFFFFD800  }
0xa3: {  	_ =	sfence.sel $0x180000  }
0xa4: {  	[bflag:$0x0] =	sbarrier.arrive $0xFFFF  }
0xa5: {  	_ =	strace $0x9000004A  }
0xa6: {  	s0 =	stileid.u32;
	[bflag:$0x2] =	sbarrier.arrive $0xFFFF  }
0xa7: {  	p0 =	sne.s32 s0, $0x0;
	s0 =	rddreg [dreg:$0x2]  }
0xa8: {  	s0 =	sadd.s32 @!p0 $0x100000, s0  }
0xa9: {  	[sflag:s0] =	ssyncadd.tile.s32 @!p0 $0x1;
	_ =	shalt  }
.Lfunc_end2:
_tile_overlayer_lowered:
.L_overlay_start_2:
0xaa: {  	(tag) =	ssettag $0x2  }
0xab: {  	s0 =	rddreg [dreg:$0x0];
	s2 =	stileid.u32  }
0xac: {  	s1 =	rddreg [dreg:$0x1];
	p0 =	sne.s32 s2, $0x0  }
0xad: {  	s3 =	rddreg [dreg:$0x2];
	[bflag:$0x3] =	sbarrier.arrive $0xFFFF;
	s2 =	simm.s32 @!p0 $0x1C03  }
0xae: {  	[timem:s3], [sflag:s2] =	dma.local @!p0 [hbm:s0], s1  }
0xaf: {  	s0 =	simm.s32 @!p0 $0x3  }
0xb0: {  	_ =	swait.ge @!p0 [sflag:s0], s1  }
0xb1: {  	s1 =	ssub.s32 @!p0 $0x0, s1;
	[sflag:s0] =	ssyncset.done @!p0 $0x0  }
0xb2: {  	[sflag:s0] =	ssyncadd.s32 @!p0 s1  }
0xb3: {  	[bflag:$0x3] =	sbarrier.arrive $0xFFFF  }
0xb4: {  	_ =	shalt  }

// kernel: kernel.16.cloned.1.call-start
scs
__scs_entry_jumppad:
0x0: {  	(pc) =	sbr.rel $0x88, $3  }
0x1: {  	(tag) =	ssettag $0x0;
	lr =	simm.s32 $0x1  }
0x2: {  	[smem:$0x3F91] =	sst lr;
	_ =	strace $0xD0000000  }
0x3: {  	_ = 	snop  }
0x4: {  	_ = 	snop  }
0x5: {  	_ = 	snop  }
0x6: {  	_ = 	snop  }
0x7: {  	_ = 	snop  }
__scs_overlays_trampoline_lowered:
0x8: {  	[smem:$0x3FA0] =	sst s0  }
0x9: {  	[smem:$0x3FA1] =	sst s1  }
0xa: {  	[smem:$0x3FA2] =	sst s2  }
0xb: {  	[smem:$0x3FA3] =	sst s3  }
0xc: {  	[smem:$0x3FA4] =	sst s4  }
0xd: {  	[smem:$0x3FA5] =	sst s5  }
0xe: {  	[smem:$0x3FA6] =	sst s6  }
0xf: {  	[smem:$0x3FA7] =	sst s7  }
0x10: {  	[smem:$0x3FA8] =	sst s8  }
0x11: {  	[smem:$0x3FA9] =	sst s9;
	s0 =	simm.s32 @!p0 $0x0  }
0x12: {  	s1 =	sld [smem:$0x3F8F];
	s0 =	simm.s32 @p0 $0x1  }
0x13: {  	[smem:$0x3FAA] =	sst s0;
	s0 =	simm.s32 @!p1 $0x0  }
0x14: {  	s2 =	sld [smem:$0x3F8E];
	s0 =	simm.s32 @p1 $0x1  }
0x15: {  	[smem:$0x3FAB] =	sst s0;
	s0 =	simm.s32 @!p2 $0x0  }
0x16: {  	s3 =	sld [smem:$0x3FDB];
	s0 =	simm.s32 @p2 $0x1  }
0x17: {  	s4 =	simm.s32 $0x1BF5;
	[smem:$0x3FAD] =	sst s0  }
0x18: {  	s0 =	sld [smem:$0x3F90];
	_ =	swait.ge [sflag:s4], $0x0  }
0x19: {  	s7 =	sld [smem:$0x3F91]  }
0x1a: {  	s8 =	sadd.s32 $0xFFFFE003, lr  }
0x1b: {  	s9 =	sadd.s32 $0xFFFFFEF7, lr;
	s5 =	simm.s32 $0xFFFFFFFF;
	p2 =	slt.u32 s8, $0xFFFFF086  }
0x1c: {  	p1 =	slt.u32 s9, $0xF7A;
	s5 =	simm.s32 @!p2 $0x0  }
0x1d: {  	s5 =	simm.s32 @p1 $0x1;
	p0 =	seq.s32 s7, s2  }
0x1e: {  	s7 =	smul.u32 @!p0 $0xF7A, s2;
	p2 =	seq.s32 @!p0 s5, $0x0  }
0x1f: {  	s9 =	smul.u32 $0xF7A, s1;
	s8 =	simm.s32 @!p0 $0x1BF5;
	p2 =	por !p2, p0  }
0x20: {  	[sflag:s8] =	ssyncset.s32 @!p0 $0xFFFFF086;
	s6 =	sadd.s32 @!p0 s3, s7;
	s7 =	simm.s32 @!p0 $0x108  }
0x21: {  	s3 =	sadd.s32 s3, s9;
	s6 =	sadd.s32 @!p0 $0x88, s6;
	s7 =	simm.s32 @p2 $0x1082  }
0x22: {  	[simem:s7], [sflag:s8] =	dma.local @!p0 [hbm:s6], $0xF7A  }
0x23: {  	s9 =	sor.u32 $0xD0000000, s2;
	s6 =	simm.s32 $0x108;
	_ =	swait.ge @!p0 [sflag:s8], $0x0  }
0x24: {  	s3 =	sadd.s32 $0x88, s3;
	s6 =	simm.s32 @!p1 $0x1082;
	[sflag:s4] =	ssyncset.s32 $0xFFFFF086  }
0x25: {  	[simem:s6], [sflag:s4] =	dma.local [hbm:s3], $0xF7A  }
0x26: {  	[smem:$0x3F91] =	sst s1;
	(tag) =	ssettag s2;
	_ =	strace s9  }
0x27: {  	s1 =	sld [smem:$0x3FA1]  }
0x28: {  	s2 =	sld [smem:$0x3FA2]  }
0x29: {  	s4 =	sld [smem:$0x3FA4]  }
0x2a: {  	p0 =	seq.s32 s5, $0x0;
	s5 =	sld [smem:$0x3FA5]  }
0x2b: {  	s6 =	sld [smem:$0x3FA6]  }
0x2c: {  	s7 =	sld [smem:$0x3FA7]  }
0x2d: {  	s3 =	simm.s32 $0x108;
	s8 =	sld [smem:$0x3FA8]  }
0x2e: {  	s3 =	simm.s32 @!p0 $0x1082;
	s9 =	sld [smem:$0x3FA9]  }
0x2f: {  	lr =	sadd.s32 s0, s3;
	s0 =	sld [smem:$0x3FA0]  }
0x30: {  	s3 =	sld [smem:$0x3FA3]  }
0x31: {  	[smem:$0x3FAC] =	sst s10  }
0x32: {  	s10 =	sld [smem:$0x3FAA];
	_ =	sdelay $0x3  }
0x33: {  	p0 =	seq.s32 s10, $0x1;
	s10 =	sld [smem:$0x3FAC];
	_ =	sdelay $0x3  }
0x34: {  	[smem:$0x3FAC] =	sst s10  }
0x35: {  	s10 =	sld [smem:$0x3FAB];
	_ =	sdelay $0x3  }
0x36: {  	p1 =	seq.s32 s10, $0x1;
	s10 =	sld [smem:$0x3FAC];
	_ =	sdelay $0x3  }
0x37: {  	[smem:$0x3FAC] =	sst s10  }
0x38: {  	s10 =	sld [smem:$0x3FAD]  }
0x39: {  	_ = 	snop;
	(pc) =	sbr.ind lr, $3  }
0x3a: {  	_ = 	snop  }
0x3b: {  	_ = 	snop  }
0x3c: {  	p2 =	seq.s32 s10, $0x1;
	s10 =	sld [smem:$0x3FAC]  }
0x3d: {  	_ =	shalt  }
0x3e: {  	_ =	shalt  }
0x3f: {  	_ =	shalt  }
0x40: {  	_ =	shalt  }
0x41: {  	_ =	shalt  }
0x42: {  	_ =	shalt  }
0x43: {  	_ =	shalt  }
0x44: {  	_ =	shalt  }
0x45: {  	_ =	shalt  }
0x46: {  	_ =	shalt  }
0x47: {  	_ =	shalt  }
0x48: {  	_ =	shalt  }
0x49: {  	_ =	shalt  }
0x4a: {  	_ =	shalt  }
0x4b: {  	_ =	shalt  }
0x4c: {  	_ =	shalt  }
0x4d: {  	_ =	shalt  }
0x4e: {  	_ =	shalt  }
0x4f: {  	_ =	shalt  }
0x50: {  	_ =	shalt  }
0x51: {  	_ =	shalt  }
0x52: {  	_ =	shalt  }
0x53: {  	_ =	shalt  }
0x54: {  	_ =	shalt  }
0x55: {  	_ =	shalt  }
0x56: {  	_ =	shalt  }
0x57: {  	_ =	shalt  }
0x58: {  	_ =	shalt  }
0x59: {  	_ =	shalt  }
0x5a: {  	_ =	shalt  }
0x5b: {  	_ =	shalt  }
0x5c: {  	_ =	shalt  }
0x5d: {  	_ =	shalt  }
0x5e: {  	_ =	shalt  }
0x5f: {  	_ =	shalt  }
0x60: {  	_ =	shalt  }
0x61: {  	_ =	shalt  }
0x62: {  	_ =	shalt  }
0x63: {  	_ =	shalt  }
0x64: {  	_ =	shalt  }
0x65: {  	_ =	shalt  }
0x66: {  	_ =	shalt  }
0x67: {  	_ =	shalt  }
0x68: {  	_ =	shalt  }
0x69: {  	_ =	shalt  }
0x6a: {  	_ =	shalt  }
0x6b: {  	_ =	shalt  }
0x6c: {  	_ =	shalt  }
0x6d: {  	_ =	shalt  }
0x6e: {  	_ =	shalt  }
0x6f: {  	_ =	shalt  }
0x70: {  	_ =	shalt  }
0x71: {  	_ =	shalt  }
0x72: {  	_ =	shalt  }
0x73: {  	_ =	shalt  }
0x74: {  	_ =	shalt  }
0x75: {  	_ =	shalt  }
0x76: {  	_ =	shalt  }
0x77: {  	_ =	shalt  }
0x78: {  	_ =	shalt  }
0x79: {  	_ =	shalt  }
0x7a: {  	_ =	shalt  }
0x7b: {  	_ =	shalt  }
0x7c: {  	_ =	shalt  }
0x7d: {  	_ =	shalt  }
0x7e: {  	_ =	shalt  }
0x7f: {  	_ =	shalt  }
0x80: {  	_ =	shalt  }
0x81: {  	_ =	shalt  }
0x82: {  	_ =	shalt  }
0x83: {  	_ =	shalt  }
0x84: {  	_ =	shalt  }
0x85: {  	_ =	shalt  }
0x86: {  	_ =	shalt  }
0x87: {  	_ =	shalt  }
.Lfunc_end0:
.L_simem_size_0:
called_computation.2_lowered:
.L_overlay_start_0:
0x88: {  	s2 =	sld [smem:$0x3FD9]  }
0x89: {  	s3 =	sld [smem:$0x3FFE];
	_ =	sdelay $0x1  }
0x8a: {  	s1 =	srdreg.scid  }
0x8b: {  	s0 =	sand.u32 $0x1, s1  }
0x8c: {  	s16 =	sshll.u32 s0, $0xA;
	s2 =	sadd.s32 s3, s2  }
0x8d: {  	s2 =	sadd.s32 s2, s16  }
0x8e: {  	[smem:$0x3FB8] =	sst s2  }
0x8f: {  	_ = 	snop  }
0x90: {  	(tm) =	ssettm $0x1  }
0x91: {  	s17 =	sld [smem:$0x3FFB];
	_ =	sdelay $0x3  }
0x92: {  	_ =	strace s17  }
0x93: {  	s2 =	sld [smem:$0x3FFC];
	_ =	sdelay $0x3  }
0x94: {  	_ =	strace s2  }
0x95: {  	s2 =	sld [smem:$0x3FFD];
	_ =	sdelay $0x3  }
0x96: {  	_ =	strace s2  }
0x97: {  	_ =	strace $0x8FFFFFFF  }
0x98: {  	s18 =	sld [smem:$0x3FDB];
	_ =	sdelay $0x1  }
0x99: {  	s19 =	simm.s32 $_scs_section_size  }
0x9a: {  	s4 =	simm.s32 $_size__tile_overlayer_lowered;
	s5 =	simm.s32 $_tile_overlayer_lowered  }
0x9b: {  	s22 =	simm.s32 $0x1BFF;
	s21 =	sshll.u32 s5, $0x1;
	s2 =	sadd.s32 s19, s18  }
0x9c: {  	s6 =	simm.s32 $0x0;
	s20 =	sshll.u32 s4, $0x1;
	s4 =	sadd.s32 s21, s2  }
0x9d: {  	[timem:s6], [sflag:s22] =	dma.local [hbm:s4], s20  }
0x9e: {  	_ =	swait.ge [sflag:s22], s20  }
0x9f: {  	s3 =	ssub.s32 $0x0, s20;
	[sflag:s22] =	ssyncset.done $0x0  }
0xa0: {  	[sflag:s22] =	ssyncadd.s32 s3;
	_ =	sdelay $0x1  }
0xa1: {  	s23 =	simm.s32 $0x1B8B  }
0xa2: {  	_ =	swait.ge [sflag:s23], $0x1  }
0xa3: {  	[sflag:s23] =	ssyncset.done $0x0  }
0xa4: {  	s25 =	simm.s32 $0x1B8E;
	s24 =	sld [smem:$0x3FFE];
	[sflag:s23] =	ssyncadd.s32 $0xFFFFFFFF  }
0xa5: {  	s26 =	simm.s32 $execute0_lowered;
	[smem:$0x3FD2] =	sst s25  }
0xa6: {  	s4 =	sshll.u32 s26, $0x1;
	_ =	strace $0x8000004C;
	[dreg:$0x1] =	wrdreg $0xFFFFFFFF  }
0xa7: {  	s28 =	simm.s32 $_size_execute0_lowered;
	s2 =	sadd.s32 s2, s4;
	[dreg:$0x0] =	wrdreg $0x0  }
0xa8: {  	s4 =	sshll.u32 s28, $0x1;
	[dreg:$0x2] =	wrdreg s2  }
0xa9: {  	[dreg:$0x3] =	wrdreg s4  }
0xaa: {  	[dreg:$0x4] =	wrdreg $0xC0  }
0xab: {  	_ =	task [dreg:s6], $0x5FFFF  }
0xac: {  	[dreg:$0x1] =	wrdreg $0xFFFFFFFF  }
0xad: {  	[dreg:$0x0] =	wrdreg $0x60  }
0xae: {  	[dreg:$0x2] =	wrdreg s24  }
0xaf: {  	[dreg:$0x3] =	wrdreg $0x0  }
0xb0: {  	[dreg:$0x4] =	wrdreg $0x9  }
0xb1: {  	_ =	task.clear_ibuf [dreg:s6], $0x5FFFF;
	_ =	strace $0x9000004C  }
0xb2: {  	s29 =	simm.s32 $0x9;
	_ =	strace $0x8000004E  }
0xb3: {  	_ =	swait.ge [sflag:s29], $0x1  }
0xb4: {  	[sflag:s29] =	ssyncadd.s32 $0xFFFFFFFF  }
0xb5: {  	_ =	strace $0x9000004E  }
0xb6: {  	_ =	sfence  }
0xb7: {  	s30 =	sld [smem:$0x0];
	_ =	sdelay $0x2  }
0xb8: {  	s31 =	sshll.u32 s1, $0xD;
	s1 =	sshrl.u32 s1, $0x2  }
0xb9: {  	s3 =	sand.u32 $0x4000, s31;
	s1 =	sadd.s32 s1, s30  }
0xba: {  	s0 =	sor.u32 s3, s0;
	s1 =	sshll.u32 s1, $0x11  }
0xbb: {  	s0 =	sor.u32 s1, s0  }
0xbc: {  	s0 =	sadd.s32 $0x8F2B, s0  }
0xbd: {  	[sflag:s0] =	ssyncadd.remote.s32 $0x1  }
0xbe: {  	_ =	sfence.sel $0xFFFF  }
0xbf: {  	[dreg:$0x0] =	wrdreg $0xFFFFFFFF;
	(pc) =	sbr.abs _section_cstart, $3  }
0xc0: {  	[dreg:$0x1] =	wrdreg $0xFFFFFFFF  }
0xc1: {  	_ =	task.clear_ibuf [dreg:s6], $0x2FFFF;
	_ =	strace $0x9FFFFFFF  }
0xc2: {  	(tm) =	ssettm $0x7FFFFFFF  }
0xc3: {  	_ =	shalt  }
tec
execute0_lowered:
.L_overlay_start_1:
0x0: {  	(tag) =	ssettag $0x1  }
0x1: {  	s0 =	rddreg [dreg:$0x0]  }
0x2: {  	s1 =	rddreg [dreg:$0x1]  }
0x3: {  	s2 =	srdreg.scid;
	s3 =	simm.s32 $0x0;
	s12 =	stileid.u32  }
0x4: {  	s18 =	simm.s32 $0x3;
	s19 =	simm.s32 $0x14000;
	s20 =	simm.s32 $0x14100  }
0x5: {  	s21 =	simm.s32 $0x50;
	s22 =	simm.s32 $0x14200;
	s23 =	simm.s32 $0x14080  }
0x6: {  	s28 =	simm.s32 $0x2;
	s29 =	simm.s32 $0x0;
	s7 =	smul.u32 $0x280, s12  }
0x7: {  	s2 =	sand.u32 $0x1, s2;
	[smem:$0x7FF] =	sst s3;
	s24 =	smul.u32 $0x50000, s12  }
0x8: {  	s4 =	sadd.s32 $0xCC00, s0;
	s5 =	sadd.s32 $0x85200, s0;
	s10 =	smul.u32 $0x4E20, s12  }
0x9: {  	s15 =	sadd.s32 $0x2E00, s0;
	s25 =	sshll.u32 s12, $0x6;
	s31 =	smul.u32 $0x9C4, s12  }
0xa: {  	s6 =	smul.u32 $0x2800, s2;
	_ =	strace $0x8000004D;
	s8 =	ssub.s32 $0x2, s2  }
0xb: {  	s2 =	smul.u32 $0x4E200, s2;
	s9 =	sshrl.u32 s8, $0x1;
	s30 =	sshrl.u32 s10, $0x3  }
0xc: {  	s6 =	sadd.s32 s7, s6;
	s7 =	sshrl.u32 s24, $0x2;
	s11 =	ssub.s32 s8, s9  }
0xd: {  	s2 =	sadd.s32 s10, s2;
	s9 =	sadd.s32 s15, s30;
	s15 =	sadd.s32 s31, s15  }
0xe: {  	s24 =	simm.s32 $0x14180;
	s6 =	sshll.u32 s6, $0x4;
	s17 =	sadd.s32 s7, s1  }
0xf: {  	s7 =	sor.u32 $0x1C03, s25;
	s26 =	sshrl.u32 s2, $0x3;
	s11 =	smax.u32 s11, $0x1  }
0x10: {  	s14 =	sadd.s32 $0x50, s2;
	s13 =	sadd.s32 $0x9BA, s9;
	s25 =	simm.s32 $0x16A00  }
0x11: {  	s0 =	sadd.s32 s6, s0;
	s6 =	sadd.s32 s4, s6;
	s8 =	sadd.s32 s5, s26  }
0x12: {  	s16 =	sshrl.u32 s14, $0x3;
	s14 =	sadd.s32 $0xA0, s2;
	s17 =	sshrl.u32 s17, $0x3  }
0x13: {  	s26 =	simm.s32 $0x1;
	[dreg:$0x3] =	wrdreg s6;
	s0 =	sadd.s32 $0x98C00, s0  }
0x14: {  	s12 =	sadd.s32 $0x9BA, s8;
	s16 =	sadd.s32 s16, s5;
	[dreg:$0x4] =	wrdreg s0  }
.LBB2_1:
0x15: {  	s0 =	rddreg [dreg:$0x3]  }
0x16: {  	[spmem:s17], [sflag:s7] =	dma.local [hbm:s0], $0x2800  }
0x17: {  	_ =	swait.ge [sflag:s18], $0x2800  }
0x18: {  	[sflag:s18] =	ssyncset.done $0x0  }
0x19: {  	[sflag:s18] =	ssyncadd.s32 $0xFFFFD800  }
0x1a: {  	[bflag:$0x0] =	sbarrier.arrive $0xFFFF  }
0x1b: {  	[tilespmem:s19], [sflag:$0x3] =	stream.linear.gather [hbm4b:s8+s3], $0x50, $0x38;
	[tilespmem:$0x19200] =	vst v63  }
0x1c: {  	_ =	swait.ge [sflag:s18], $0x50  }
0x1d: {  	[sflag:s18] =	ssyncset.done $0x0  }
0x1e: {  	[sflag:s18] =	ssyncadd.s32 $0xFFFFFFB0  }
0x1f: {  	[tilespmem:s20], [sflag:$0x3] =	stream.linear.gather [hbm4b:s9+s3], $0x50, $0x38;
	[tilespmem:$0x19200] =	vst v63  }
0x20: {  	_ =	swait.ge [sflag:s18], $0x50  }
0x21: {  	[sflag:s18] =	ssyncset.done $0x0  }
0x22: {  	[sflag:s18] =	ssyncadd.s32 $0xFFFFFFB0  }
0x23: {  	[tilespmem:s22], [sflag:$0x1] =	stream.indirect.gather [hbm4b:s4+s21], $0x80, s19, s21, $0xb8;
	[tilespmem:$0x19200] =	vst v63  }
0x24: {  	s2 =	sadd.s32 $0x0, s16  }
0x25: {  	[tilespmem:s23], [sflag:$0x3] =	stream.linear.gather [hbm4b:s2+s3], $0x50, $0x38;
	[tilespmem:$0x19200] =	vst v63  }
0x26: {  	_ =	swait.ge [sflag:s18], $0x50  }
0x27: {  	s6 =	sadd.s32 $0x0, s15;
	[sflag:s18] =	ssyncset.done $0x0  }
0x28: {  	s2 =	sadd.s32 $0xA, s6;
	[sflag:s18] =	ssyncadd.s32 $0xFFFFFFB0  }
0x29: {  	[tilespmem:s24], [sflag:$0x3] =	stream.linear.gather [hbm4b:s2+s3], $0x50, $0x38;
	[tilespmem:$0x19200] =	vst v63  }
0x2a: {  	_ =	swait.ge [sflag:s18], $0x50  }
0x2b: {  	[sflag:s18] =	ssyncset.done $0x0  }
0x2c: {  	[sflag:s18] =	ssyncadd.s32 $0xFFFFFFB0  }
0x2d: {  	[tilespmem:s25], [sflag:$0x2] =	stream.indirect.gather [hbm4b:s4+s21], $0x80, s23, s21, $0xb8;
	[tilespmem:$0x19200] =	vst v63  }
0x2e: {  	_ =	swait.ge [sflag:s26], $0x2800  }
0x2f: {  	[sflag:s26] =	ssyncset.done $0x0  }
0x30: {  	[sflag:s26] =	ssyncadd.s32 $0xFFFFD800  }
0x31: {  	[spmem:s1] =	stream.indirect.scatter.add.f32 [tilespmem:s22], [sflag:$0x3], $0x80, s20, s21, $0xb8;
	[tilespmem:$0x19200] =	vst v63  }
0x32: {  	_ =	swait.ge [sflag:s18], $0x2800  }
0x33: {  	s10 =	sshrl.u32 s14, $0x3;
	[sflag:s18] =	ssyncset.done $0x0  }
0x34: {  	s2 =	sadd.s32 s5, s10;
	[sflag:s18] =	ssyncadd.s32 $0xFFFFD800  }
0x35: {  	[tilespmem:s19], [sflag:$0x3] =	stream.linear.gather [hbm4b:s2+s3], $0x50, $0x38;
	[tilespmem:$0x19200] =	vst v63  }
0x36: {  	_ =	swait.ge [sflag:s18], $0x50  }
0x37: {  	[sflag:s18] =	ssyncset.done $0x0  }
0x38: {  	s0 =	sadd.s32 $0x14, s6;
	[sflag:s18] =	ssyncadd.s32 $0xFFFFFFB0  }
0x39: {  	[tilespmem:s20], [sflag:$0x3] =	stream.linear.gather [hbm4b:s0+s3], $0x50, $0x38;
	[tilespmem:$0x19200] =	vst v63  }
0x3a: {  	_ =	swait.ge [sflag:s18], $0x50  }
0x3b: {  	[sflag:s18] =	ssyncset.done $0x0  }
0x3c: {  	[sflag:s18] =	ssyncadd.s32 $0xFFFFFFB0  }
0x3d: {  	[tilespmem:s22], [sflag:$0x1] =	stream.indirect.gather [hbm4b:s4+s21], $0x80, s19, s21, $0xb8;
	[tilespmem:$0x19200] =	vst v63  }
0x3e: {  	_ =	swait.ge [sflag:s28], $0x2800  }
0x3f: {  	[sflag:s28] =	ssyncset.done $0x0  }
0x40: {  	[sflag:s28] =	ssyncadd.s32 $0xFFFFD800  }
0x41: {  	[spmem:s1] =	stream.indirect.scatter.add.f32 [tilespmem:s25], [sflag:$0x3], $0x80, s24, s21, $0xb8;
	[tilespmem:$0x19200] =	vst v63  }
0x42: {  	s31 =	simm.s32 $0x14;
	_ =	swait.ge [sflag:s18], $0x2800  }
0x43: {  	s30 =	sadd.s32 $0xA0, s14;
	s0 =	simm.s32 $0x28;
	[sflag:s18] =	ssyncset.done $0x0  }
.LBB2_2:
0x44: {  	s6 =	sadd.s32 s31, s16  }
0x45: {  	[sflag:s18] =	ssyncadd.s32 $0xFFFFD800;
	s10 =	smov.u32 s0;
	s2 =	sadd.s32 $0x14, s0  }
0x46: {  	[tilespmem:s23], [sflag:$0x3] =	stream.linear.gather [hbm4b:s6+s3], $0x50, $0x38;
	[tilespmem:$0x19200] =	vst v63  }
0x47: {  	p0 =	sne.s32 s0, $0x99C;
	_ =	swait.ge [sflag:s18], $0x50  }
0x48: {  	s0 =	sadd.s32 s31, s15;
	s31 =	smov.u32 s10;
	[sflag:s18] =	ssyncset.done $0x0  }
0x49: {  	s6 =	sadd.s32 $0xA, s0;
	[sflag:s18] =	ssyncadd.s32 $0xFFFFFFB0  }
0x4a: {  	[tilespmem:s24], [sflag:$0x3] =	stream.linear.gather [hbm4b:s6+s3], $0x50, $0x38;
	[tilespmem:$0x19200] =	vst v63  }
0x4b: {  	_ =	swait.ge [sflag:s18], $0x50  }
0x4c: {  	[sflag:s18] =	ssyncset.done $0x0  }
0x4d: {  	[sflag:s18] =	ssyncadd.s32 $0xFFFFFFB0  }
0x4e: {  	[tilespmem:s25], [sflag:$0x2] =	stream.indirect.gather [hbm4b:s4+s21], $0x80, s23, s21, $0xb8;
	[tilespmem:$0x19200] =	vst v63  }
0x4f: {  	_ =	swait.ge [sflag:s26], $0x2800  }
0x50: {  	[sflag:s26] =	ssyncset.done $0x0  }
0x51: {  	[sflag:s26] =	ssyncadd.s32 $0xFFFFD800  }
0x52: {  	[spmem:s1] =	stream.indirect.scatter.add.f32 [tilespmem:s22], [sflag:$0x3], $0x80, s20, s21, $0xb8;
	[tilespmem:$0x19200] =	vst v63  }
0x53: {  	_ =	swait.ge [sflag:s18], $0x2800  }
0x54: {  	s6 =	sshrl.u32 s30, $0x3;
	[sflag:s18] =	ssyncset.done $0x0  }
0x55: {  	s6 =	sadd.s32 s5, s6;
	[sflag:s18] =	ssyncadd.s32 $0xFFFFD800  }
0x56: {  	[tilespmem:s19], [sflag:$0x3] =	stream.linear.gather [hbm4b:s6+s3], $0x50, $0x38;
	[tilespmem:$0x19200] =	vst v63  }
0x57: {  	_ =	swait.ge [sflag:s18], $0x50  }
0x58: {  	[sflag:s18] =	ssyncset.done $0x0  }
0x59: {  	s0 =	sadd.s32 $0x14, s0;
	[sflag:s18] =	ssyncadd.s32 $0xFFFFFFB0  }
0x5a: {  	[tilespmem:s20], [sflag:$0x3] =	stream.linear.gather [hbm4b:s0+s3], $0x50, $0x38;
	[tilespmem:$0x19200] =	vst v63  }
0x5b: {  	_ =	swait.ge [sflag:s18], $0x50  }
0x5c: {  	[sflag:s18] =	ssyncset.done $0x0  }
0x5d: {  	[sflag:s18] =	ssyncadd.s32 $0xFFFFFFB0  }
0x5e: {  	[tilespmem:s22], [sflag:$0x1] =	stream.indirect.gather [hbm4b:s4+s21], $0x80, s19, s21, $0xb8;
	[tilespmem:$0x19200] =	vst v63  }
0x5f: {  	_ =	swait.ge [sflag:s28], $0x2800  }
.Ltmp0:
0x60: {  	[sflag:s28] =	ssyncset.done $0x0;
	(pc) =	sbr.rel @p0 .LBB2_2-.Ltmp0, $4  }
0x61: {  	[sflag:s28] =	ssyncadd.s32 $0xFFFFD800  }
0x62: {  	[spmem:s1] =	stream.indirect.scatter.add.f32 [tilespmem:s25], [sflag:$0x3], $0x80, s24, s21, $0xb8;
	[tilespmem:$0x19200] =	vst v63  }
0x63: {  	_ =	swait.ge [sflag:s18], $0x2800  }
0x64: {  	s30 =	sadd.s32 $0xA0, s30;
	s0 =	smov.u32 s2;
	[sflag:s18] =	ssyncset.done $0x0  }
0x65: {  	s0 =	sadd.s32 s31, s16;
	[sflag:s18] =	ssyncadd.s32 $0xFFFFD800  }
0x66: {  	[tilespmem:s23], [sflag:$0x3] =	stream.linear.gather [hbm4b:s0+s3], $0x50, $0x38;
	[tilespmem:$0x19200] =	vst v63  }
0x67: {  	_ =	swait.ge [sflag:s18], $0x50  }
0x68: {  	s10 =	sadd.s32 s31, s15;
	[sflag:s18] =	ssyncset.done $0x0  }
0x69: {  	s2 =	sadd.s32 $0xA, s10;
	[sflag:s18] =	ssyncadd.s32 $0xFFFFFFB0  }
0x6a: {  	[tilespmem:s24], [sflag:$0x3] =	stream.linear.gather [hbm4b:s2+s3], $0x50, $0x38;
	[tilespmem:$0x19200] =	vst v63  }
0x6b: {  	_ =	swait.ge [sflag:s18], $0x50  }
0x6c: {  	[sflag:s18] =	ssyncset.done $0x0  }
0x6d: {  	[sflag:s18] =	ssyncadd.s32 $0xFFFFFFB0  }
0x6e: {  	[tilespmem:s25], [sflag:$0x2] =	stream.indirect.gather [hbm4b:s4+s21], $0x80, s23, s21, $0xb8;
	[tilespmem:$0x19200] =	vst v63  }
0x6f: {  	_ =	swait.ge [sflag:s26], $0x2800  }
0x70: {  	[sflag:s26] =	ssyncset.done $0x0  }
0x71: {  	[sflag:s26] =	ssyncadd.s32 $0xFFFFD800  }
0x72: {  	[spmem:s1] =	stream.indirect.scatter.add.f32 [tilespmem:s22], [sflag:$0x3], $0x80, s20, s21, $0xb8;
	[tilespmem:$0x19200] =	vst v63  }
0x73: {  	_ =	swait.ge [sflag:s18], $0x2800  }
0x74: {  	s30 =	sshrl.u32 s30, $0x3;
	[sflag:s18] =	ssyncset.done $0x0  }
0x75: {  	s2 =	sadd.s32 s5, s30;
	[sflag:s18] =	ssyncadd.s32 $0xFFFFD800  }
0x76: {  	[tilespmem:s19], [sflag:$0x3] =	stream.linear.gather [hbm4b:s2+s3], $0x50, $0x38;
	[tilespmem:$0x19200] =	vst v63  }
0x77: {  	_ =	swait.ge [sflag:s18], $0x50  }
0x78: {  	[sflag:s18] =	ssyncset.done $0x0  }
0x79: {  	s0 =	sadd.s32 $0x14, s10;
	[sflag:s18] =	ssyncadd.s32 $0xFFFFFFB0  }
0x7a: {  	[tilespmem:s20], [sflag:$0x3] =	stream.linear.gather [hbm4b:s0+s3], $0x50, $0x38;
	[tilespmem:$0x19200] =	vst v63  }
0x7b: {  	_ =	swait.ge [sflag:s18], $0x50  }
0x7c: {  	[sflag:s18] =	ssyncset.done $0x0  }
0x7d: {  	[sflag:s18] =	ssyncadd.s32 $0xFFFFFFB0  }
0x7e: {  	[tilespmem:s22], [sflag:$0x1] =	stream.indirect.gather [hbm4b:s4+s21], $0x80, s19, s21, $0xb8;
	[tilespmem:$0x19200] =	vst v63  }
0x7f: {  	_ =	swait.ge [sflag:s28], $0x2800  }
0x80: {  	[sflag:s28] =	ssyncset.done $0x0  }
0x81: {  	[sflag:s28] =	ssyncadd.s32 $0xFFFFD800  }
0x82: {  	[spmem:s1] =	stream.indirect.scatter.add.f32 [tilespmem:s25], [sflag:$0x3], $0x80, s24, s21, $0xb8;
	[tilespmem:$0x19200] =	vst v63  }
0x83: {  	_ =	swait.ge [sflag:s18], $0x2800  }
0x84: {  	[sflag:s18] =	ssyncset.done $0x0  }
0x85: {  	[sflag:s18] =	ssyncadd.s32 $0xFFFFD800  }
0x86: {  	[tilespmem:s23], [sflag:$0x3] =	stream.linear.gather [hbm4b:s12+s3], $0x50, $0x38;
	[tilespmem:$0x19200] =	vst v63  }
0x87: {  	_ =	swait.ge [sflag:s18], $0x50  }
0x88: {  	[sflag:s18] =	ssyncset.done $0x0  }
0x89: {  	[sflag:s18] =	ssyncadd.s32 $0xFFFFFFB0  }
0x8a: {  	[tilespmem:s24], [sflag:$0x3] =	stream.linear.gather [hbm4b:s13+s3], $0x50, $0x38;
	[tilespmem:$0x19200] =	vst v63  }
0x8b: {  	_ =	swait.ge [sflag:s18], $0x50  }
0x8c: {  	[sflag:s18] =	ssyncset.done $0x0  }
0x8d: {  	[sflag:s18] =	ssyncadd.s32 $0xFFFFFFB0  }
0x8e: {  	[tilespmem:s25], [sflag:$0x2] =	stream.indirect.gather [hbm4b:s4+s21], $0x80, s23, s21, $0xb8;
	[tilespmem:$0x19200] =	vst v63  }
0x8f: {  	_ =	swait.ge [sflag:s26], $0x2800  }
0x90: {  	[sflag:s26] =	ssyncset.done $0x0  }
0x91: {  	[sflag:s26] =	ssyncadd.s32 $0xFFFFD800  }
0x92: {  	[spmem:s1] =	stream.indirect.scatter.add.f32 [tilespmem:s22], [sflag:$0x3], $0x80, s20, s21, $0xb8;
	[tilespmem:$0x19200] =	vst v63  }
0x93: {  	_ =	swait.ge [sflag:s18], $0x2800  }
0x94: {  	[sflag:s18] =	ssyncset.done $0x0  }
0x95: {  	[sflag:s18] =	ssyncadd.s32 $0xFFFFD800  }
0x96: {  	_ =	swait.ge [sflag:s28], $0x2800  }
0x97: {  	[sflag:s28] =	ssyncset.done $0x0  }
0x98: {  	[sflag:s28] =	ssyncadd.s32 $0xFFFFD800  }
0x99: {  	[spmem:s1] =	stream.indirect.scatter.add.f32 [tilespmem:s25], [sflag:$0x3], $0x80, s24, s21, $0xb8;
	[tilespmem:$0x19200] =	vst v63  }
0x9a: {  	_ =	swait.ge [sflag:s18], $0x2800  }
0x9b: {  	[sflag:s18] =	ssyncset.done $0x0  }
0x9c: {  	s29 =	sadd.s32 $0x1, s29;
	[sflag:s18] =	ssyncadd.s32 $0xFFFFD800  }
0x9d: {  	p0 =	sne.s32 s29, s11;
	[bflag:$0x0] =	sbarrier.arrive $0xFFFF  }
.Ltmp1:
0x9e: {  	s31 =	rddreg [dreg:$0x4];
	(pc) =	sbr.rel @p0 .LBB2_1-.Ltmp1, $4  }
0x9f: {  	[hbm:s31], [sflag:s7] =	dma.local [spmem:s17], $0x2800  }
0xa0: {  	_ =	swait.ge [sflag:s18], $0x2800  }
0xa1: {  	[sflag:s18] =	ssyncset.done $0x0  }
0xa2: {  	[sflag:s18] =	ssyncadd.s32 $0xFFFFD800  }
0xa3: {  	_ =	sfence.sel $0x180000  }
0xa4: {  	[bflag:$0x0] =	sbarrier.arrive $0xFFFF  }
0xa5: {  	_ =	strace $0x9000004D  }
0xa6: {  	s0 =	stileid.u32;
	[bflag:$0x2] =	sbarrier.arrive $0xFFFF  }
0xa7: {  	p0 =	sne.s32 s0, $0x0;
	s0 =	rddreg [dreg:$0x2]  }
0xa8: {  	s0 =	sadd.s32 @!p0 $0x100000, s0  }
0xa9: {  	[sflag:s0] =	ssyncadd.tile.s32 @!p0 $0x1;
	_ =	shalt  }
.Lfunc_end2:
_tile_overlayer_lowered:
.L_overlay_start_2:
0xaa: {  	(tag) =	ssettag $0x2  }
0xab: {  	s0 =	rddreg [dreg:$0x0];
	s2 =	stileid.u32  }
0xac: {  	s1 =	rddreg [dreg:$0x1];
	p0 =	sne.s32 s2, $0x0  }
0xad: {  	s3 =	rddreg [dreg:$0x2];
	[bflag:$0x3] =	sbarrier.arrive $0xFFFF;
	s2 =	simm.s32 @!p0 $0x1C03  }
0xae: {  	[timem:s3], [sflag:s2] =	dma.local @!p0 [hbm:s0], s1  }
0xaf: {  	s0 =	simm.s32 @!p0 $0x3  }
0xb0: {  	_ =	swait.ge @!p0 [sflag:s0], s1  }
0xb1: {  	s1 =	ssub.s32 @!p0 $0x0, s1;
	[sflag:s0] =	ssyncset.done @!p0 $0x0  }
0xb2: {  	[sflag:s0] =	ssyncadd.s32 @!p0 s1  }
0xb3: {  	[bflag:$0x3] =	sbarrier.arrive $0xFFFF  }
0xb4: {  	_ =	shalt  }

// kernel: kernel.19.cloned.1.call-start
scs
__scs_entry_jumppad:
0x0: {  	(pc) =	sbr.rel $0x88, $3  }
0x1: {  	(tag) =	ssettag $0x0;
	lr =	simm.s32 $0x1  }
0x2: {  	[smem:$0x3F91] =	sst lr;
	_ =	strace $0xD0000000  }
0x3: {  	_ = 	snop  }
0x4: {  	_ = 	snop  }
0x5: {  	_ = 	snop  }
0x6: {  	_ = 	snop  }
0x7: {  	_ = 	snop  }
__scs_overlays_trampoline_lowered:
0x8: {  	[smem:$0x3FA0] =	sst s0  }
0x9: {  	[smem:$0x3FA1] =	sst s1  }
0xa: {  	[smem:$0x3FA2] =	sst s2  }
0xb: {  	[smem:$0x3FA3] =	sst s3  }
0xc: {  	[smem:$0x3FA4] =	sst s4  }
0xd: {  	[smem:$0x3FA5] =	sst s5  }
0xe: {  	[smem:$0x3FA6] =	sst s6  }
0xf: {  	[smem:$0x3FA7] =	sst s7  }
0x10: {  	[smem:$0x3FA8] =	sst s8  }
0x11: {  	[smem:$0x3FA9] =	sst s9;
	s0 =	simm.s32 @!p0 $0x0  }
0x12: {  	s1 =	sld [smem:$0x3F8F];
	s0 =	simm.s32 @p0 $0x1  }
0x13: {  	[smem:$0x3FAA] =	sst s0;
	s0 =	simm.s32 @!p1 $0x0  }
0x14: {  	s2 =	sld [smem:$0x3F8E];
	s0 =	simm.s32 @p1 $0x1  }
0x15: {  	[smem:$0x3FAB] =	sst s0;
	s0 =	simm.s32 @!p2 $0x0  }
0x16: {  	s3 =	sld [smem:$0x3FDB];
	s0 =	simm.s32 @p2 $0x1  }
0x17: {  	s4 =	simm.s32 $0x1BF5;
	[smem:$0x3FAD] =	sst s0  }
0x18: {  	s0 =	sld [smem:$0x3F90];
	_ =	swait.ge [sflag:s4], $0x0  }
0x19: {  	s7 =	sld [smem:$0x3F91]  }
0x1a: {  	s8 =	sadd.s32 $0xFFFFE003, lr  }
0x1b: {  	s9 =	sadd.s32 $0xFFFFFEF7, lr;
	s5 =	simm.s32 $0xFFFFFFFF;
	p2 =	slt.u32 s8, $0xFFFFF086  }
0x1c: {  	p1 =	slt.u32 s9, $0xF7A;
	s5 =	simm.s32 @!p2 $0x0  }
0x1d: {  	s5 =	simm.s32 @p1 $0x1;
	p0 =	seq.s32 s7, s2  }
0x1e: {  	s7 =	smul.u32 @!p0 $0xF7A, s2;
	p2 =	seq.s32 @!p0 s5, $0x0  }
0x1f: {  	s9 =	smul.u32 $0xF7A, s1;
	s8 =	simm.s32 @!p0 $0x1BF5;
	p2 =	por !p2, p0  }
0x20: {  	[sflag:s8] =	ssyncset.s32 @!p0 $0xFFFFF086;
	s6 =	sadd.s32 @!p0 s3, s7;
	s7 =	simm.s32 @!p0 $0x108  }
0x21: {  	s3 =	sadd.s32 s3, s9;
	s6 =	sadd.s32 @!p0 $0x88, s6;
	s7 =	simm.s32 @p2 $0x1082  }
0x22: {  	[simem:s7], [sflag:s8] =	dma.local @!p0 [hbm:s6], $0xF7A  }
0x23: {  	s9 =	sor.u32 $0xD0000000, s2;
	s6 =	simm.s32 $0x108;
	_ =	swait.ge @!p0 [sflag:s8], $0x0  }
0x24: {  	s3 =	sadd.s32 $0x88, s3;
	s6 =	simm.s32 @!p1 $0x1082;
	[sflag:s4] =	ssyncset.s32 $0xFFFFF086  }
0x25: {  	[simem:s6], [sflag:s4] =	dma.local [hbm:s3], $0xF7A  }
0x26: {  	[smem:$0x3F91] =	sst s1;
	(tag) =	ssettag s2;
	_ =	strace s9  }
0x27: {  	s1 =	sld [smem:$0x3FA1]  }
0x28: {  	s2 =	sld [smem:$0x3FA2]  }
0x29: {  	s4 =	sld [smem:$0x3FA4]  }
0x2a: {  	p0 =	seq.s32 s5, $0x0;
	s5 =	sld [smem:$0x3FA5]  }
0x2b: {  	s6 =	sld [smem:$0x3FA6]  }
0x2c: {  	s7 =	sld [smem:$0x3FA7]  }
0x2d: {  	s3 =	simm.s32 $0x108;
	s8 =	sld [smem:$0x3FA8]  }
0x2e: {  	s3 =	simm.s32 @!p0 $0x1082;
	s9 =	sld [smem:$0x3FA9]  }
0x2f: {  	lr =	sadd.s32 s0, s3;
	s0 =	sld [smem:$0x3FA0]  }
0x30: {  	s3 =	sld [smem:$0x3FA3]  }
0x31: {  	[smem:$0x3FAC] =	sst s10  }
0x32: {  	s10 =	sld [smem:$0x3FAA];
	_ =	sdelay $0x3  }
0x33: {  	p0 =	seq.s32 s10, $0x1;
	s10 =	sld [smem:$0x3FAC];
	_ =	sdelay $0x3  }
0x34: {  	[smem:$0x3FAC] =	sst s10  }
0x35: {  	s10 =	sld [smem:$0x3FAB];
	_ =	sdelay $0x3  }
0x36: {  	p1 =	seq.s32 s10, $0x1;
	s10 =	sld [smem:$0x3FAC];
	_ =	sdelay $0x3  }
0x37: {  	[smem:$0x3FAC] =	sst s10  }
0x38: {  	s10 =	sld [smem:$0x3FAD]  }
0x39: {  	_ = 	snop;
	(pc) =	sbr.ind lr, $3  }
0x3a: {  	_ = 	snop  }
0x3b: {  	_ = 	snop  }
0x3c: {  	p2 =	seq.s32 s10, $0x1;
	s10 =	sld [smem:$0x3FAC]  }
0x3d: {  	_ =	shalt  }
0x3e: {  	_ =	shalt  }
0x3f: {  	_ =	shalt  }
0x40: {  	_ =	shalt  }
0x41: {  	_ =	shalt  }
0x42: {  	_ =	shalt  }
0x43: {  	_ =	shalt  }
0x44: {  	_ =	shalt  }
0x45: {  	_ =	shalt  }
0x46: {  	_ =	shalt  }
0x47: {  	_ =	shalt  }
0x48: {  	_ =	shalt  }
0x49: {  	_ =	shalt  }
0x4a: {  	_ =	shalt  }
0x4b: {  	_ =	shalt  }
0x4c: {  	_ =	shalt  }
0x4d: {  	_ =	shalt  }
0x4e: {  	_ =	shalt  }
0x4f: {  	_ =	shalt  }
0x50: {  	_ =	shalt  }
0x51: {  	_ =	shalt  }
0x52: {  	_ =	shalt  }
0x53: {  	_ =	shalt  }
0x54: {  	_ =	shalt  }
0x55: {  	_ =	shalt  }
0x56: {  	_ =	shalt  }
0x57: {  	_ =	shalt  }
0x58: {  	_ =	shalt  }
0x59: {  	_ =	shalt  }
0x5a: {  	_ =	shalt  }
0x5b: {  	_ =	shalt  }
0x5c: {  	_ =	shalt  }
0x5d: {  	_ =	shalt  }
0x5e: {  	_ =	shalt  }
0x5f: {  	_ =	shalt  }
0x60: {  	_ =	shalt  }
0x61: {  	_ =	shalt  }
0x62: {  	_ =	shalt  }
0x63: {  	_ =	shalt  }
0x64: {  	_ =	shalt  }
0x65: {  	_ =	shalt  }
0x66: {  	_ =	shalt  }
0x67: {  	_ =	shalt  }
0x68: {  	_ =	shalt  }
0x69: {  	_ =	shalt  }
0x6a: {  	_ =	shalt  }
0x6b: {  	_ =	shalt  }
0x6c: {  	_ =	shalt  }
0x6d: {  	_ =	shalt  }
0x6e: {  	_ =	shalt  }
0x6f: {  	_ =	shalt  }
0x70: {  	_ =	shalt  }
0x71: {  	_ =	shalt  }
0x72: {  	_ =	shalt  }
0x73: {  	_ =	shalt  }
0x74: {  	_ =	shalt  }
0x75: {  	_ =	shalt  }
0x76: {  	_ =	shalt  }
0x77: {  	_ =	shalt  }
0x78: {  	_ =	shalt  }
0x79: {  	_ =	shalt  }
0x7a: {  	_ =	shalt  }
0x7b: {  	_ =	shalt  }
0x7c: {  	_ =	shalt  }
0x7d: {  	_ =	shalt  }
0x7e: {  	_ =	shalt  }
0x7f: {  	_ =	shalt  }
0x80: {  	_ =	shalt  }
0x81: {  	_ =	shalt  }
0x82: {  	_ =	shalt  }
0x83: {  	_ =	shalt  }
0x84: {  	_ =	shalt  }
0x85: {  	_ =	shalt  }
0x86: {  	_ =	shalt  }
0x87: {  	_ =	shalt  }
.Lfunc_end0:
.L_simem_size_0:
called_computation.3_lowered:
.L_overlay_start_0:
0x88: {  	s2 =	sld [smem:$0x3FD9]  }
0x89: {  	s3 =	sld [smem:$0x3FFE];
	_ =	sdelay $0x1  }
0x8a: {  	s1 =	srdreg.scid  }
0x8b: {  	s0 =	sand.u32 $0x1, s1  }
0x8c: {  	s17 =	sshll.u32 s0, $0xA;
	s2 =	sadd.s32 s3, s2  }
0x8d: {  	s2 =	sadd.s32 s2, s17  }
0x8e: {  	[smem:$0x3FB8] =	sst s2  }
0x8f: {  	_ = 	snop  }
0x90: {  	s2 =	sld [smem:$0x3FD0];
	(tm) =	ssettm $0x1  }
0x91: {  	s18 =	sld [smem:$0x3FFB];
	_ =	sdelay $0x3  }
0x92: {  	_ =	strace s18  }
0x93: {  	s3 =	sld [smem:$0x3FFC];
	_ =	sdelay $0x3  }
0x94: {  	_ =	strace s3  }
0x95: {  	s3 =	sld [smem:$0x3FFD];
	_ =	sdelay $0x3  }
0x96: {  	_ =	strace s3  }
0x97: {  	_ =	strace $0x8FFFFFFF  }
0x98: {  	s19 =	sld [smem:$0x3FDB];
	_ =	sdelay $0x1  }
0x99: {  	s4 =	simm.s32 $_scs_section_size  }
0x9a: {  	s5 =	simm.s32 $_size__tile_overlayer_lowered;
	s6 =	simm.s32 $_tile_overlayer_lowered  }
0x9b: {  	s22 =	simm.s32 $0x1BFF;
	s21 =	sshll.u32 s6, $0x1;
	s3 =	sadd.s32 s4, s19  }
0x9c: {  	s7 =	simm.s32 $0x0;
	s20 =	sshll.u32 s5, $0x1;
	s5 =	sadd.s32 s21, s3  }
0x9d: {  	[timem:s7], [sflag:s22] =	dma.local [hbm:s5], s20  }
0x9e: {  	_ =	swait.ge [sflag:s22], s20  }
0x9f: {  	s4 =	ssub.s32 $0x0, s20;
	[sflag:s22] =	ssyncset.done $0x0  }
0xa0: {  	[sflag:s22] =	ssyncadd.s32 s4;
	_ =	sdelay $0x1  }
0xa1: {  	s23 =	simm.s32 $0x1B8B  }
0xa2: {  	_ =	swait.ge [sflag:s23], $0x1  }
0xa3: {  	[sflag:s23] =	ssyncset.done $0x0  }
0xa4: {  	s25 =	simm.s32 $0x1B8E;
	s24 =	sld [smem:$0x3FFE];
	[sflag:s23] =	ssyncadd.s32 $0xFFFFFFFF  }
0xa5: {  	s26 =	simm.s32 $execute0_lowered;
	[smem:$0x3FD2] =	sst s25  }
0xa6: {  	s5 =	sshll.u32 s26, $0x1;
	_ =	strace $0x8000004F;
	[dreg:$0x1] =	wrdreg $0xFFFFFFFF  }
0xa7: {  	s28 =	simm.s32 $_size_execute0_lowered;
	s3 =	sadd.s32 s3, s5;
	[dreg:$0x0] =	wrdreg $0x0  }
0xa8: {  	s5 =	sshll.u32 s28, $0x1;
	[dreg:$0x2] =	wrdreg s3  }
0xa9: {  	[dreg:$0x3] =	wrdreg s5  }
0xaa: {  	[dreg:$0x4] =	wrdreg $0xC0  }
0xab: {  	_ =	task [dreg:s7], $0x5FFFF  }
0xac: {  	[dreg:$0x1] =	wrdreg $0xFFFFFFFF  }
0xad: {  	[dreg:$0x0] =	wrdreg $0x60  }
0xae: {  	[dreg:$0x2] =	wrdreg s24  }
0xaf: {  	[dreg:$0x3] =	wrdreg s2  }
0xb0: {  	[dreg:$0x4] =	wrdreg $0x9  }
0xb1: {  	_ =	task.clear_ibuf [dreg:s7], $0x5FFFF;
	_ =	strace $0x9000004F  }
0xb2: {  	s29 =	simm.s32 $0x9;
	_ =	strace $0x80000051  }
0xb3: {  	_ =	swait.ge [sflag:s29], $0x1  }
0xb4: {  	[sflag:s29] =	ssyncadd.s32 $0xFFFFFFFF  }
0xb5: {  	_ =	strace $0x90000051  }
0xb6: {  	_ =	sfence  }
0xb7: {  	s30 =	sld [smem:$0x0];
	_ =	sdelay $0x2  }
0xb8: {  	s31 =	sshll.u32 s1, $0xD;
	s1 =	sshrl.u32 s1, $0x2  }
0xb9: {  	s3 =	sand.u32 $0x4000, s31;
	s1 =	sadd.s32 s1, s30  }
0xba: {  	s0 =	sor.u32 s3, s0;
	s1 =	sshll.u32 s1, $0x11  }
0xbb: {  	s0 =	sor.u32 s1, s0  }
0xbc: {  	s0 =	sadd.s32 $0x8F2B, s0  }
0xbd: {  	[sflag:s0] =	ssyncadd.remote.s32 $0x1  }
0xbe: {  	_ =	sfence.sel $0xFFFF  }
0xbf: {  	[dreg:$0x0] =	wrdreg $0xFFFFFFFF;
	(pc) =	sbr.abs _section_cstart, $3  }
0xc0: {  	[dreg:$0x1] =	wrdreg $0xFFFFFFFF  }
0xc1: {  	_ =	task.clear_ibuf [dreg:s7], $0x2FFFF;
	_ =	strace $0x9FFFFFFF  }
0xc2: {  	(tm) =	ssettm $0x7FFFFFFF  }
0xc3: {  	_ =	shalt  }
tec
execute0_lowered:
.L_overlay_start_1:
0x0: {  	(tag) =	ssettag $0x1  }
0x1: {  	s5 =	rddreg [dreg:$0x0]  }
0x2: {  	s1 =	rddreg [dreg:$0x1]  }
0x3: {  	s0 =	rddreg [dreg:$0x2]  }
0x4: {  	s2 =	simm.s32 $0x0;
	s3 =	srdreg.scid;
	s9 =	simm.s32 $0x880  }
0x5: {  	s10 =	simm.s32 $0x1080;
	s11 =	simm.s32 $0x1880;
	s12 =	simm.s32 $0x2080  }
0x6: {  	s13 =	simm.s32 $0x2880;
	s14 =	simm.s32 $0x3080;
	s15 =	simm.s32 $0x3880  }
0x7: {  	s16 =	simm.s32 $0x4080;
	s17 =	simm.s32 $0x4880;
	s18 =	simm.s32 $0x5080  }
0x8: {  	s19 =	simm.s32 $0x5880;
	s20 =	simm.s32 $0x6080;
	s21 =	simm.s32 $0x6880  }
0x9: {  	s22 =	simm.s32 $0x7080;
	s23 =	simm.s32 $0x7880;
	s24 =	simm.s32 $0x1  }
0xa: {  	s25 =	simm.s32 $0x0;
	[smem:$0x7FF] =	sst s2;
	s6 =	sand.u32 $0x1, s3  }
0xb: {  	s4 =	sadd.s32 $0x2E00, s5;
	s3 =	stileid.u32;
	s7 =	ssub.s32 $0x2, s6  }
0xc: {  	v2 =	vlaneseq.u32;
	s5 =	sadd.s32 $0x52E00, s5;
	_ =	strace $0x80000050;
	s8 =	sshrl.u32 s7, $0x1  }
0xd: {  	vm0 =	vmmov $0xffff;
	v1 =	vshrl.u32 v2, $0x3;
	s6 =	sshll.u32 s6, $0xC;
	s31 =	sshll.u32 s3, $0x8;
	s7 =	ssub.s32 s7, s8  }
0xe: {  	v0 =	vand.u32 $0x7, v2;
	v2 =	vor.u32 $0x8, v2;
	v1 =	vmul.u32 $0x8, v1;
	s6 =	sor.u32 s31, s6;
	s8 =	simm.s32 $0x2;
	s7 =	smax.u32 s7, $0x1  }
.LBB2_1:
0xf: {  	p0 =	por $0x1, $0x1;
	s28 =	simm.s32 $0x0  }
.LBB2_2:
0x10: {  	s26 =	sor.u32 s6, s28  }
0x11: {  	s28 =	sshrl.u32 s26, $0x3  }
0x12: {  	s28 =	sadd.s32 s1, s28  }
0x13: {  	[tilespmem:s2], [sflag:$0x2] =	stream.linear.gather [hbm4b:s28+s2], $0x80, $0x38;
	[tilespmem:$0x8080] =	vst v63  }
0x14: {  	_ =	swait.ge [sflag:s8], $0x80  }
0x15: {  	[sflag:s8] =	ssyncset.done $0x0  }
0x16: {  	[sflag:s8] =	ssyncadd.s32 $0xFFFFFF80  }
0x17: {  	v3 =	vld [tilespmem:$0x0];
	_ =	sdelay $0x4  }
0x18: {  	v4 =	vshll.u32 v3, $0x1  }
0x19: {  	v3 =	vand.u32 $0x7, v3;
	v4 =	vand.u32 $0xFFFFFFF0, v4  }
0x1a: {  	v3 =	vor.u32 v3, v4  }
0x1b: {  	v4 =	vperm.xlane v3, v0;
	_ =	sdelay $0x1  }
0x1c: {  	v3 =	vperm.xlane v3, v2;
	v4 =	vadd.s32 v1, v4;
	_ =	sdelay $0x1  }
0x1d: {  	v3 =	vadd.s32 v1, v3;
	_ =	sdelay $0x1  }
0x1e: {  	s28 =	simm.s32 $0x80  }
0x1f: {  	[tilespmem:s28], [sflag:$0x1] =	stream.indirect_vreg.gather [hbm4b:s4+s2], $0x80, v4, vm0, $0xb8;
	[tilespmem:$0x8080] =	vst v63  }
0x20: {  	_ = 	snop  }
0x21: {  	[tilespmem:s9], [sflag:$0x1] =	stream.indirect_vreg.gather [hbm4b:s4+s2], $0x80, v3, vm0, $0xb8;
	[tilespmem:$0x8080] =	vst v63  }
0x22: {  	v3 =	vld [tilespmem:$0x10];
	_ =	sdelay $0x4  }
0x23: {  	v57 =	vshll.u32 v3, $0x1  }
0x24: {  	v3 =	vand.u32 $0x7, v3;
	v4 =	vand.u32 $0xFFFFFFF0, v57  }
0x25: {  	v3 =	vor.u32 v3, v4  }
0x26: {  	v4 =	vperm.xlane v3, v0;
	_ =	sdelay $0x1  }
0x27: {  	v3 =	vperm.xlane v3, v2;
	v4 =	vadd.s32 v1, v4;
	_ =	sdelay $0x1  }
0x28: {  	v3 =	vadd.s32 v1, v3;
	_ =	sdelay $0x2  }
0x29: {  	[tilespmem:s10], [sflag:$0x1] =	stream.indirect_vreg.gather [hbm4b:s4+s2], $0x80, v4, vm0, $0xb8;
	[tilespmem:$0x8080] =	vst v63  }
0x2a: {  	_ = 	snop  }
0x2b: {  	[tilespmem:s11], [sflag:$0x1] =	stream.indirect_vreg.gather [hbm4b:s4+s2], $0x80, v3, vm0, $0xb8;
	[tilespmem:$0x8080] =	vst v63  }
0x2c: {  	v3 =	vld [tilespmem:$0x20];
	_ =	sdelay $0x4  }
0x2d: {  	v58 =	vshll.u32 v3, $0x1  }
0x2e: {  	v3 =	vand.u32 $0x7, v3;
	v4 =	vand.u32 $0xFFFFFFF0, v58  }
0x2f: {  	v3 =	vor.u32 v3, v4  }
0x30: {  	v4 =	vperm.xlane v3, v0;
	_ =	sdelay $0x1  }
0x31: {  	v3 =	vperm.xlane v3, v2;
	v4 =	vadd.s32 v1, v4;
	_ =	sdelay $0x1  }
0x32: {  	v3 =	vadd.s32 v1, v3;
	_ =	sdelay $0x2  }
0x33: {  	[tilespmem:s12], [sflag:$0x1] =	stream.indirect_vreg.gather [hbm4b:s4+s2], $0x80, v4, vm0, $0xb8;
	[tilespmem:$0x8080] =	vst v63  }
0x34: {  	_ = 	snop  }
0x35: {  	[tilespmem:s13], [sflag:$0x1] =	stream.indirect_vreg.gather [hbm4b:s4+s2], $0x80, v3, vm0, $0xb8;
	[tilespmem:$0x8080] =	vst v63  }
0x36: {  	v3 =	vld [tilespmem:$0x30];
	_ =	sdelay $0x4  }
0x37: {  	v59 =	vshll.u32 v3, $0x1  }
0x38: {  	v3 =	vand.u32 $0x7, v3;
	v4 =	vand.u32 $0xFFFFFFF0, v59  }
0x39: {  	v3 =	vor.u32 v3, v4  }
0x3a: {  	v4 =	vperm.xlane v3, v0;
	_ =	sdelay $0x1  }
0x3b: {  	v3 =	vperm.xlane v3, v2;
	v4 =	vadd.s32 v1, v4;
	_ =	sdelay $0x1  }
0x3c: {  	v3 =	vadd.s32 v1, v3;
	_ =	sdelay $0x2  }
0x3d: {  	[tilespmem:s14], [sflag:$0x1] =	stream.indirect_vreg.gather [hbm4b:s4+s2], $0x80, v4, vm0, $0xb8;
	[tilespmem:$0x8080] =	vst v63  }
0x3e: {  	_ = 	snop  }
0x3f: {  	[tilespmem:s15], [sflag:$0x1] =	stream.indirect_vreg.gather [hbm4b:s4+s2], $0x80, v3, vm0, $0xb8;
	[tilespmem:$0x8080] =	vst v63  }
0x40: {  	v3 =	vld [tilespmem:$0x40];
	_ =	sdelay $0x4  }
0x41: {  	v60 =	vshll.u32 v3, $0x1  }
0x42: {  	v3 =	vand.u32 $0x7, v3;
	v4 =	vand.u32 $0xFFFFFFF0, v60  }
0x43: {  	v3 =	vor.u32 v3, v4  }
0x44: {  	v4 =	vperm.xlane v3, v0;
	_ =	sdelay $0x1  }
0x45: {  	v3 =	vperm.xlane v3, v2;
	v4 =	vadd.s32 v1, v4;
	_ =	sdelay $0x1  }
0x46: {  	v3 =	vadd.s32 v1, v3;
	_ =	sdelay $0x2  }
0x47: {  	[tilespmem:s16], [sflag:$0x1] =	stream.indirect_vreg.gather [hbm4b:s4+s2], $0x80, v4, vm0, $0xb8;
	[tilespmem:$0x8080] =	vst v63  }
0x48: {  	_ = 	snop  }
0x49: {  	[tilespmem:s17], [sflag:$0x1] =	stream.indirect_vreg.gather [hbm4b:s4+s2], $0x80, v3, vm0, $0xb8;
	[tilespmem:$0x8080] =	vst v63  }
0x4a: {  	v3 =	vld [tilespmem:$0x50];
	_ =	sdelay $0x4  }
0x4b: {  	v61 =	vshll.u32 v3, $0x1  }
0x4c: {  	v3 =	vand.u32 $0x7, v3;
	v4 =	vand.u32 $0xFFFFFFF0, v61  }
0x4d: {  	v3 =	vor.u32 v3, v4  }
0x4e: {  	v4 =	vperm.xlane v3, v0;
	_ =	sdelay $0x1  }
0x4f: {  	v3 =	vperm.xlane v3, v2;
	v4 =	vadd.s32 v1, v4;
	_ =	sdelay $0x1  }
0x50: {  	v3 =	vadd.s32 v1, v3;
	_ =	sdelay $0x2  }
0x51: {  	[tilespmem:s18], [sflag:$0x1] =	stream.indirect_vreg.gather [hbm4b:s4+s2], $0x80, v4, vm0, $0xb8;
	[tilespmem:$0x8080] =	vst v63  }
0x52: {  	_ = 	snop  }
0x53: {  	[tilespmem:s19], [sflag:$0x1] =	stream.indirect_vreg.gather [hbm4b:s4+s2], $0x80, v3, vm0, $0xb8;
	[tilespmem:$0x8080] =	vst v63  }
0x54: {  	v3 =	vld [tilespmem:$0x60];
	_ =	sdelay $0x4  }
0x55: {  	v62 =	vshll.u32 v3, $0x1  }
0x56: {  	v3 =	vand.u32 $0x7, v3;
	v4 =	vand.u32 $0xFFFFFFF0, v62  }
0x57: {  	v3 =	vor.u32 v3, v4  }
0x58: {  	v4 =	vperm.xlane v3, v0;
	_ =	sdelay $0x1  }
0x59: {  	v3 =	vperm.xlane v3, v2;
	v4 =	vadd.s32 v1, v4;
	_ =	sdelay $0x1  }
0x5a: {  	v3 =	vadd.s32 v1, v3;
	_ =	sdelay $0x2  }
0x5b: {  	[tilespmem:s20], [sflag:$0x1] =	stream.indirect_vreg.gather [hbm4b:s4+s2], $0x80, v4, vm0, $0xb8;
	[tilespmem:$0x8080] =	vst v63  }
0x5c: {  	_ = 	snop  }
0x5d: {  	[tilespmem:s21], [sflag:$0x1] =	stream.indirect_vreg.gather [hbm4b:s4+s2], $0x80, v3, vm0, $0xb8;
	[tilespmem:$0x8080] =	vst v63  }
0x5e: {  	v3 =	vld [tilespmem:$0x70];
	_ =	sdelay $0x4  }
0x5f: {  	v63 =	vshll.u32 v3, $0x1  }
0x60: {  	v3 =	vand.u32 $0x7, v3;
	v4 =	vand.u32 $0xFFFFFFF0, v63  }
0x61: {  	v3 =	vor.u32 v3, v4  }
0x62: {  	v4 =	vperm.xlane v3, v0;
	_ =	sdelay $0x1  }
0x63: {  	v3 =	vperm.xlane v3, v2;
	v4 =	vadd.s32 v1, v4;
	_ =	sdelay $0x1  }
0x64: {  	v3 =	vadd.s32 v1, v3;
	_ =	sdelay $0x2  }
0x65: {  	[tilespmem:s22], [sflag:$0x1] =	stream.indirect_vreg.gather [hbm4b:s4+s2], $0x80, v4, vm0, $0xb8;
	[tilespmem:$0x8080] =	vst v63  }
0x66: {  	_ = 	snop  }
0x67: {  	[tilespmem:s23], [sflag:$0x1] =	stream.indirect_vreg.gather [hbm4b:s4+s2], $0x80, v3, vm0, $0xb8;
	[tilespmem:$0x8080] =	vst v63  }
0x68: {  	_ =	swait.ge [sflag:s24], $0x8000  }
0x69: {  	p1 =	por p0, p0;
	s26 =	sshll.u32 s26, $0x5;
	[sflag:s24] =	ssyncset.done $0x0  }
.Ltmp0:
0x6a: {  	s26 =	sadd.s32 s5, s26;
	[sflag:s24] =	ssyncadd.s32 $0xFFFF8000;
	(pc) =	sbr.rel @p1 .LBB2_2-.Ltmp0, $4  }
0x6b: {  	[hbm4b:s26+s2] =	stream.linear.scatter [tilespmem:s28], [sflag:$0x2], $0x8000, $0x38;
	[tilespmem:$0x8080] =	vst v63  }
0x6c: {  	_ =	swait.ge [sflag:s8], $0x8000  }
0x6d: {  	[sflag:s8] =	ssyncset.done $0x0  }
0x6e: {  	p0 =	por $0x0, $0x0;
	[sflag:s8] =	ssyncadd.s32 $0xFFFF8000  }
0x6f: {  	s25 =	sadd.s32 $0x1, s25  }
0x70: {  	p0 =	sne.s32 s25, s7  }
.Ltmp1:
0x71: {  	_ = 	snop;
	(pc) =	sbr.rel @p0 .LBB2_1-.Ltmp1, $1  }
0x72: {  	_ =	sdelay $0x3  }
0x73: {  	_ =	sfence.sel $0x180000  }
0x74: {  	[bflag:$0x0] =	sbarrier.arrive $0xFFFF  }
0x75: {  	p0 =	sne.s32 s3, $0x0;
	_ =	strace $0x90000050  }
0x76: {  	s0 =	sadd.s32 @!p0 $0x100000, s0;
	[bflag:$0x2] =	sbarrier.arrive $0xFFFF  }
0x77: {  	[sflag:s0] =	ssyncadd.tile.s32 @!p0 $0x1;
	_ =	shalt  }
.Lfunc_end2:
_tile_overlayer_lowered:
.L_overlay_start_2:
0x78: {  	(tag) =	ssettag $0x2  }
0x79: {  	s0 =	rddreg [dreg:$0x0];
	s2 =	stileid.u32  }
0x7a: {  	s1 =	rddreg [dreg:$0x1];
	p0 =	sne.s32 s2, $0x0  }
0x7b: {  	s3 =	rddreg [dreg:$0x2];
	[bflag:$0x3] =	sbarrier.arrive $0xFFFF;
	s2 =	simm.s32 @!p0 $0x1C02  }
0x7c: {  	[timem:s3], [sflag:s2] =	dma.local @!p0 [hbm:s0], s1  }
0x7d: {  	s0 =	simm.s32 @!p0 $0x2  }
0x7e: {  	_ =	swait.ge @!p0 [sflag:s0], s1  }
0x7f: {  	s1 =	ssub.s32 @!p0 $0x0, s1;
	[sflag:s0] =	ssyncset.done @!p0 $0x0  }
0x80: {  	[sflag:s0] =	ssyncadd.s32 @!p0 s1  }
0x81: {  	[bflag:$0x3] =	sbarrier.arrive $0xFFFF  }
0x82: {  	_ =	shalt  }

</sc_bundles>
